<compile_context>
chip_gen: v7x
topology: tpu7x:2x2x1
jax: 0.10.2.dev20260603
libtpu: 0.0.44.dev20260713+nightly
codegen_flags: <defaults>
</compile_context>

<pallas_src>
import functools

import jax
import jax.numpy as jnp
from jax import lax
from jax.experimental import pallas as pl
from jax.experimental.pallas import tpu as pltpu
from jax.experimental.pallas import tpu_sc as plsc

_V = 1000000
_D = 64
_SCALE = 8.0
_NC, _NS = 2, 16
_NW = _NC * _NS
_NB = 4096
_NT = 200
_CH = 128
_NBB = _NB // _CH
_NCHUNK = _NT * _NBB
_CPT = _NCHUNK // _NW
_NBUF = 4

_mesh = plsc.VectorSubcoreMesh(
    core_axis_name="c", subcore_axis_name="s",
    num_cores=_NC, num_subcores=_NS)


@functools.partial(
    pl.kernel,
    out_type=jax.ShapeDtypeStruct((_NT, _D, _NB), jnp.float32),
    mesh=_mesh,
    scratch_types=[
        pltpu.VMEM((_NBUF, _CH), jnp.int32),
        pltpu.VMEM((_CH, _D), jnp.float32),
        pltpu.VMEM((_CH, _D), jnp.float32),
        pltpu.VMEM((_CH, _D), jnp.float32),
        pltpu.VMEM((_CH, _D), jnp.float32),
        pltpu.VMEM((_NBUF, _D, _CH), jnp.float32),
        pltpu.SemaphoreType.DMA((_NBUF,)),
        pltpu.SemaphoreType.DMA((_NBUF,)),
        pltpu.SemaphoreType.DMA((_NBUF,)),
    ],
    compiler_params=pltpu.CompilerParams(use_tc_tiling_on_sc=False),
)
def _embed(word_hbm, table_hbm, out_hbm, idx, rows0, rows1, rows2, rows3,
           wb, sem_i, sem_g, sem_o):
    rows = [rows0, rows1, rows2, rows3]
    wid = lax.axis_index("s") * _NC + lax.axis_index("c")
    qbase = wid * _CPT
    iot = lax.iota(jnp.int32, 16)

    def widx(q):
        return pl.ds((q // _NBB) * _NB + (q % _NBB) * _CH, _CH)

    def wdst(q, buf):
        return out_hbm.at[q // _NBB, :, pl.ds((q % _NBB) * _CH, _CH)]

    for b in range(_NBUF):
        pltpu.sync_copy(word_hbm.at[widx(qbase + b)], idx.at[b])
        pltpu.async_copy(table_hbm.at[idx.at[b]], rows[b], sem_g.at[b])

    def outer(r, carry):
        for b in range(_NBUF):
            q = qbase + r * _NBUF + b
            more = r <= (_CPT // _NBUF) - 2

            pltpu.make_async_copy(
                table_hbm.at[idx.at[b]], rows[b], sem_g.at[b]).wait()

            @pl.when(more)
            def _():
                pltpu.async_copy(
                    word_hbm.at[widx(q + _NBUF)], idx.at[b], sem_i.at[b])

            @pl.when(r >= 1)
            def _():
                pltpu.make_async_copy(
                    wb.at[b], wdst(q - _NBUF, b), sem_o.at[b]).wait()

            @functools.partial(plsc.parallel_loop, 0, _D, unroll=2)
            def _(d):
                col = jnp.full((16,), d, jnp.int32)
                for bg in range(_CH // 16):
                    v = plsc.load_gather(
                        rows[b], [iot + bg * 16, col])
                    wb[b, d, pl.ds(bg * 16, 16)] = v * _SCALE

            @pl.when(more)
            def _():
                pltpu.make_async_copy(
                    word_hbm.at[widx(q + _NBUF)], idx.at[b], sem_i.at[b]).wait()
                pltpu.async_copy(
                    table_hbm.at[idx.at[b]], rows[b], sem_g.at[b])

            pltpu.async_copy(wb.at[b], wdst(q, b), sem_o.at[b])
        return carry

    lax.fori_loop(0, _CPT // _NBUF, outer, 0)

    for b in range(_NBUF):
        pltpu.make_async_copy(
            wb.at[b], wdst(qbase + _CPT - _NBUF + b, b), sem_o.at[b]).wait()


def kernel(word, table):
    word_t = word.T.reshape(-1).astype(jnp.int32)
    out_t = _embed(word_t, table)
    return out_t.transpose(2, 0, 1)

# --- scband reference (transcript-rebuilt; emitter-appended) ---
"""Pipeline reference for scband-word-embedding-73272142070179 (READ-ONLY COPY).

The authoritative reference and input builder live on the scoring server;
editing this copy changes nothing except your own understanding.
"""

import jax, jax.numpy as jnp
import numpy as np

VOCAB_SIZE = 1000000
EMB_SIZE = 64
PADDING_IDX = 0

def setup_inputs(seed: int = 0) -> dict:
    key = jax.random.key(seed)
    k_idx, k_tab = jax.random.split(key)
    word = jax.random.randint(k_idx, (4096, 200), 0, VOCAB_SIZE, dtype=jnp.int64 if jax.config.jax_enable_x64 else jnp.int32)
    table = jax.random.normal(k_tab, (VOCAB_SIZE, EMB_SIZE), dtype=jnp.float32) * (EMB_SIZE ** -0.5)
    # nn.Embedding with padding_idx zeroes that row
    table = table.at[PADDING_IDX].set(0.0)
    return {"word": word, "table": table}

def reference(word, table):
    word_emb = jnp.take(table, word, axis=0)
    word_emb = (EMB_SIZE ** 0.5) * word_emb
    return word_emb

if __name__ == "__main__":
    import jax
    _d = setup_inputs()
    print(jax.jit(kernel)(*tuple(_d.values())))

</pallas_src>

<mosaic_0001>
#map = affine_map<(d0, d1) -> (0)>
#map1 = affine_map<(d0, d1) -> (0, 0)>
#map2 = affine_map<(d0, d1) -> (0, 0, 0)>
module attributes {stable_mosaic.version = 14 : i64} {
  func.func @_embed(%arg0: i32, %arg1: i32, %arg2: memref<819200xi32, #tpu.memory_space<hbm>>, %arg3: memref<1000000x64xf32, #tpu.memory_space<hbm>>, %arg4: memref<200x64x4096xf32, #tpu.memory_space<hbm>>, %arg5: memref<4x128xi32, #tpu.memory_space<vmem>>, %arg6: memref<128x64xf32, #tpu.memory_space<vmem>>, %arg7: memref<128x64xf32, #tpu.memory_space<vmem>>, %arg8: memref<128x64xf32, #tpu.memory_space<vmem>>, %arg9: memref<128x64xf32, #tpu.memory_space<vmem>>, %arg10: memref<4x64x128xf32, #tpu.memory_space<vmem>>, %arg11: memref<4x!tpu.dma_semaphore, #tpu.memory_space<semaphore_mem>>, %arg12: memref<4x!tpu.dma_semaphore, #tpu.memory_space<semaphore_mem>>, %arg13: memref<4x!tpu.dma_semaphore, #tpu.memory_space<semaphore_mem>>) attributes {dimension_semantics = [#tpu.dimension_semantics<core_parallel>, #tpu.dimension_semantics<subcore_parallel>], iteration_bounds = array<i64: 2, 16>, scalar_prefetch = 0 : i64, scratch_operands = 9 : i64, tpu.core_type = #tpu.core_type<sc_vector_subcore>, window_params = [{transform_indices = #map}, {transform_indices = #map1}, {transform_indices = #map2}]} {
    %mul3A = arith.constant 2 : i32
    %mul3A_0 = arith.muli %arg1, %mul3A : i32
    %add3A = arith.addi %mul3A_0, %arg0 : i32
    %mul3A_1 = arith.constant 200 : i32
    %mul3A_2 = arith.muli %add3A, %mul3A_1 : i32
    %iota3A = tpu.iota {dimensions = array<i32: 0>} : vector<16xi32>
    %add3A_3 = arith.constant 0 : i32
    %add3A_4 = arith.addi %mul3A_2, %add3A_3 : i32
    %jit3A = arith.constant 32 : i32
    %div3A = arith.divsi %add3A_4, %jit3A : i32
    %sign3A = arith.constant 0 : i32
    %sign3A_5 = arith.cmpi sgt, %add3A_4, %sign3A : i32
    %sign3A_6 = arith.extui %sign3A_5 : i1 to i32
    %sign3A_7 = arith.constant 0 : i32
    %sign3A_8 = arith.cmpi slt, %add3A_4, %sign3A_7 : i32
    %sign3A_9 = arith.extui %sign3A_8 : i1 to i32
    %sign3A_10 = arith.subi %sign3A_6, %sign3A_9 : i32
    %sign3A_11 = arith.constant 0 : i32
    %sign3A_12 = arith.cmpi sgt, %jit3A, %sign3A_11 : i32
    %sign3A_13 = arith.extui %sign3A_12 : i1 to i32
    %sign3A_14 = arith.constant 0 : i32
    %sign3A_15 = arith.cmpi slt, %jit3A, %sign3A_14 : i32
    %sign3A_16 = arith.extui %sign3A_15 : i1 to i32
    %sign3A_17 = arith.subi %sign3A_13, %sign3A_16 : i32
    %ne3A = arith.cmpi ne, %sign3A_10, %sign3A_17 : i32
    %rem3A = arith.remsi %add3A_4, %jit3A : i32
    %ne3A_18 = arith.constant 0 : i32
    %ne3A_19 = arith.cmpi ne, %rem3A, %ne3A_18 : i32
    %and3A = arith.andi %ne3A, %ne3A_19 : i1
    %sub3A = arith.constant 1 : i32
    %sub3A_20 = arith.subi %div3A, %sub3A : i32
    %select_n3A = arith.select %and3A, %sub3A_20, %div3A : i32
    %mul3A_21 = arith.constant 4096 : i32
    %mul3A_22 = arith.muli %select_n3A, %mul3A_21 : i32
    %jit3A_23 = arith.constant 32 : i32
    %eq3A = arith.constant 0 : i32
    %eq3A_24 = arith.cmpi eq, %jit3A_23, %eq3A : i32
    %jit3A_25 = arith.constant 1 : i32
    %select_n3A_26 = arith.select %eq3A_24, %jit3A_25, %jit3A_23 : i32
    %rem3A_27 = arith.remsi %add3A_4, %select_n3A_26 : i32
    %ne3A_28 = arith.constant 0 : i32
    %ne3A_29 = arith.cmpi ne, %rem3A_27, %ne3A_28 : i32
    %lt3A = arith.constant 0 : i32
    %lt3A_30 = arith.cmpi slt, %rem3A_27, %lt3A : i32
    %lt3A_31 = arith.constant 0 : i32
    %lt3A_32 = arith.cmpi slt, %select_n3A_26, %lt3A_31 : i32
    %ne3A_33 = arith.xori %lt3A_30, %lt3A_32 : i1
    %and3A_34 = arith.andi %ne3A_33, %ne3A_29 : i1
    %add3A_35 = arith.addi %rem3A_27, %select_n3A_26 : i32
    %select_n3A_36 = arith.select %and3A_34, %add3A_35, %rem3A_27 : i32
    %mul3A_37 = arith.constant 128 : i32
    %mul3A_38 = arith.muli %select_n3A_36, %mul3A_37 : i32
    %add3A_39 = arith.addi %mul3A_22, %mul3A_38 : i32
    %run_scoped3A = arith.constant 0 : i32
    "tpu.region"() ({
      %run_scoped3A_491 = tpu.sem_alloc : memref<!tpu.dma_semaphore, #tpu.memory_space<semaphore_mem>>
      %dma_start3A_492 = arith.constant 0 : i32
      %dma_start3A_493 = tpu.memref_slice %arg5[%run_scoped3A, %dma_start3A_492] : memref<4x128xi32, #tpu.memory_space<vmem>> -> memref<1x128xi32, #tpu.memory_space<vmem>>
      %dma_start3A_494 = tpu.memref_squeeze %dma_start3A_493 : memref<1x128xi32, #tpu.memory_space<vmem>> -> memref<128xi32, #tpu.memory_space<vmem>>
      %dma_start3A_495 = tpu.memref_slice %arg2[%add3A_39] : memref<819200xi32, #tpu.memory_space<hbm>> -> memref<128xi32, #tpu.memory_space<hbm>>
      %dma_start3A_496 = arith.constant 0 : i32
      %dma_start3A_497 = tpu.memref_slice %arg5[%run_scoped3A, %dma_start3A_496] : memref<4x128xi32, #tpu.memory_space<vmem>> -> memref<1x128xi32, #tpu.memory_space<vmem>>
      %dma_start3A_498 = tpu.memref_squeeze %dma_start3A_497 : memref<1x128xi32, #tpu.memory_space<vmem>> -> memref<128xi32, #tpu.memory_space<vmem>>
      %dma_start3A_499 = tpu.memref_slice %arg2[%add3A_39] : memref<819200xi32, #tpu.memory_space<hbm>> -> memref<128xi32, #tpu.memory_space<hbm>>
      tpu.enqueue_dma source(%dma_start3A_499 : memref<128xi32, #tpu.memory_space<hbm>>) target(%dma_start3A_498 : memref<128xi32, #tpu.memory_space<vmem>>) target_semaphore(%run_scoped3A_491 : memref<!tpu.dma_semaphore, #tpu.memory_space<semaphore_mem>>)
      %dma_wait3A_500 = arith.constant 0 : i32
      %dma_wait3A_501 = tpu.memref_slice %arg5[%run_scoped3A, %dma_wait3A_500] : memref<4x128xi32, #tpu.memory_space<vmem>> -> memref<1x128xi32, #tpu.memory_space<vmem>>
      %dma_wait3A_502 = tpu.memref_squeeze %dma_wait3A_501 : memref<1x128xi32, #tpu.memory_space<vmem>> -> memref<128xi32, #tpu.memory_space<vmem>>
      %dma_wait3A_503 = tpu.memref_slice %arg2[%add3A_39] : memref<819200xi32, #tpu.memory_space<hbm>> -> memref<128xi32, #tpu.memory_space<hbm>>
      %dma_wait3A_504 = arith.constant 0 : i32
      %dma_wait3A_505 = tpu.memref_slice %arg5[%run_scoped3A, %dma_wait3A_504] : memref<4x128xi32, #tpu.memory_space<vmem>> -> memref<1x128xi32, #tpu.memory_space<vmem>>
      %dma_wait3A_506 = tpu.memref_squeeze %dma_wait3A_505 : memref<1x128xi32, #tpu.memory_space<vmem>> -> memref<128xi32, #tpu.memory_space<vmem>>
      %dma_wait3A_507 = tpu.memref_slice %arg2[%add3A_39] : memref<819200xi32, #tpu.memory_space<hbm>> -> memref<128xi32, #tpu.memory_space<hbm>>
      tpu.wait_dma2 semaphore(%run_scoped3A_491 : memref<!tpu.dma_semaphore, #tpu.memory_space<semaphore_mem>>) src(%dma_wait3A_507 : memref<128xi32, #tpu.memory_space<hbm>>) dst(%dma_wait3A_506 : memref<128xi32, #tpu.memory_space<vmem>>)
      tpu.yield
    }) : () -> ()
    %dma_start3A = arith.constant 0 : i32
    %dma_start3A_40 = arith.constant 0 : i32
    %dma_start3A_41 = arith.constant 0 : i32
    %dma_start3A_42 = tpu.memref_slice %arg5[%dma_start3A, %dma_start3A_41] : memref<4x128xi32, #tpu.memory_space<vmem>> -> memref<1x128xi32, #tpu.memory_space<vmem>>
    %dma_start3A_43 = tpu.memref_squeeze %dma_start3A_42 : memref<1x128xi32, #tpu.memory_space<vmem>> -> memref<128xi32, #tpu.memory_space<vmem>>
    %dma_start3A_44 = arith.constant 0 : i32
    %dma_start3A_45 = arith.constant 0 : i32
    %dma_start3A_46 = tpu.memref_slice %arg3[%dma_start3A_44, %dma_start3A_45] : memref<1000000x64xf32, #tpu.memory_space<hbm>> -> memref<1000000x64xf32, #tpu.memory_space<hbm>>
    %dma_start3A_47 = tpu.memref_slice %arg12[%dma_start3A_40] : memref<4x!tpu.dma_semaphore, #tpu.memory_space<semaphore_mem>> -> memref<1x!tpu.dma_semaphore, #tpu.memory_space<semaphore_mem>>
    %dma_start3A_48 = tpu.memref_squeeze %dma_start3A_47 : memref<1x!tpu.dma_semaphore, #tpu.memory_space<semaphore_mem>> -> memref<!tpu.dma_semaphore, #tpu.memory_space<semaphore_mem>>
    tpu.enqueue_indirect_dma source(%dma_start3A_46 : memref<1000000x64xf32, #tpu.memory_space<hbm>>) target(%arg6 : memref<128x64xf32, #tpu.memory_space<vmem>>) offsets(%dma_start3A_43 : memref<128xi32, #tpu.memory_space<vmem>>) semaphore(%dma_start3A_48 : memref<!tpu.dma_semaphore, #tpu.memory_space<semaphore_mem>>)
    %add3A_49 = arith.constant 1 : i32
    %add3A_50 = arith.addi %mul3A_2, %add3A_49 : i32
    %jit3A_51 = arith.constant 32 : i32
    %div3A_52 = arith.divsi %add3A_50, %jit3A_51 : i32
    %sign3A_53 = arith.constant 0 : i32
    %sign3A_54 = arith.cmpi sgt, %add3A_50, %sign3A_53 : i32
    %sign3A_55 = arith.extui %sign3A_54 : i1 to i32
    %sign3A_56 = arith.constant 0 : i32
    %sign3A_57 = arith.cmpi slt, %add3A_50, %sign3A_56 : i32
    %sign3A_58 = arith.extui %sign3A_57 : i1 to i32
    %sign3A_59 = arith.subi %sign3A_55, %sign3A_58 : i32
    %sign3A_60 = arith.constant 0 : i32
    %sign3A_61 = arith.cmpi sgt, %jit3A_51, %sign3A_60 : i32
    %sign3A_62 = arith.extui %sign3A_61 : i1 to i32
    %sign3A_63 = arith.constant 0 : i32
    %sign3A_64 = arith.cmpi slt, %jit3A_51, %sign3A_63 : i32
    %sign3A_65 = arith.extui %sign3A_64 : i1 to i32
    %sign3A_66 = arith.subi %sign3A_62, %sign3A_65 : i32
    %ne3A_67 = arith.cmpi ne, %sign3A_59, %sign3A_66 : i32
    %rem3A_68 = arith.remsi %add3A_50, %jit3A_51 : i32
    %ne3A_69 = arith.constant 0 : i32
    %ne3A_70 = arith.cmpi ne, %rem3A_68, %ne3A_69 : i32
    %and3A_71 = arith.andi %ne3A_67, %ne3A_70 : i1
    %sub3A_72 = arith.constant 1 : i32
    %sub3A_73 = arith.subi %div3A_52, %sub3A_72 : i32
    %select_n3A_74 = arith.select %and3A_71, %sub3A_73, %div3A_52 : i32
    %mul3A_75 = arith.constant 4096 : i32
    %mul3A_76 = arith.muli %select_n3A_74, %mul3A_75 : i32
    %jit3A_77 = arith.constant 32 : i32
    %eq3A_78 = arith.constant 0 : i32
    %eq3A_79 = arith.cmpi eq, %jit3A_77, %eq3A_78 : i32
    %jit3A_80 = arith.constant 1 : i32
    %select_n3A_81 = arith.select %eq3A_79, %jit3A_80, %jit3A_77 : i32
    %rem3A_82 = arith.remsi %add3A_50, %select_n3A_81 : i32
    %ne3A_83 = arith.constant 0 : i32
    %ne3A_84 = arith.cmpi ne, %rem3A_82, %ne3A_83 : i32
    %lt3A_85 = arith.constant 0 : i32
    %lt3A_86 = arith.cmpi slt, %rem3A_82, %lt3A_85 : i32
    %lt3A_87 = arith.constant 0 : i32
    %lt3A_88 = arith.cmpi slt, %select_n3A_81, %lt3A_87 : i32
    %ne3A_89 = arith.xori %lt3A_86, %lt3A_88 : i1
    %and3A_90 = arith.andi %ne3A_89, %ne3A_84 : i1
    %add3A_91 = arith.addi %rem3A_82, %select_n3A_81 : i32
    %select_n3A_92 = arith.select %and3A_90, %add3A_91, %rem3A_82 : i32
    %mul3A_93 = arith.constant 128 : i32
    %mul3A_94 = arith.muli %select_n3A_92, %mul3A_93 : i32
    %add3A_95 = arith.addi %mul3A_76, %mul3A_94 : i32
    %run_scoped3A_96 = arith.constant 1 : i32
    "tpu.region"() ({
      %run_scoped3A_491 = tpu.sem_alloc : memref<!tpu.dma_semaphore, #tpu.memory_space<semaphore_mem>>
      %dma_start3A_492 = arith.constant 0 : i32
      %dma_start3A_493 = tpu.memref_slice %arg5[%run_scoped3A_96, %dma_start3A_492] : memref<4x128xi32, #tpu.memory_space<vmem>> -> memref<1x128xi32, #tpu.memory_space<vmem>>
      %dma_start3A_494 = tpu.memref_squeeze %dma_start3A_493 : memref<1x128xi32, #tpu.memory_space<vmem>> -> memref<128xi32, #tpu.memory_space<vmem>>
      %dma_start3A_495 = tpu.memref_slice %arg2[%add3A_95] : memref<819200xi32, #tpu.memory_space<hbm>> -> memref<128xi32, #tpu.memory_space<hbm>>
      %dma_start3A_496 = arith.constant 0 : i32
      %dma_start3A_497 = tpu.memref_slice %arg5[%run_scoped3A_96, %dma_start3A_496] : memref<4x128xi32, #tpu.memory_space<vmem>> -> memref<1x128xi32, #tpu.memory_space<vmem>>
      %dma_start3A_498 = tpu.memref_squeeze %dma_start3A_497 : memref<1x128xi32, #tpu.memory_space<vmem>> -> memref<128xi32, #tpu.memory_space<vmem>>
      %dma_start3A_499 = tpu.memref_slice %arg2[%add3A_95] : memref<819200xi32, #tpu.memory_space<hbm>> -> memref<128xi32, #tpu.memory_space<hbm>>
      tpu.enqueue_dma source(%dma_start3A_499 : memref<128xi32, #tpu.memory_space<hbm>>) target(%dma_start3A_498 : memref<128xi32, #tpu.memory_space<vmem>>) target_semaphore(%run_scoped3A_491 : memref<!tpu.dma_semaphore, #tpu.memory_space<semaphore_mem>>)
      %dma_wait3A_500 = arith.constant 0 : i32
      %dma_wait3A_501 = tpu.memref_slice %arg5[%run_scoped3A_96, %dma_wait3A_500] : memref<4x128xi32, #tpu.memory_space<vmem>> -> memref<1x128xi32, #tpu.memory_space<vmem>>
      %dma_wait3A_502 = tpu.memref_squeeze %dma_wait3A_501 : memref<1x128xi32, #tpu.memory_space<vmem>> -> memref<128xi32, #tpu.memory_space<vmem>>
      %dma_wait3A_503 = tpu.memref_slice %arg2[%add3A_95] : memref<819200xi32, #tpu.memory_space<hbm>> -> memref<128xi32, #tpu.memory_space<hbm>>
      %dma_wait3A_504 = arith.constant 0 : i32
      %dma_wait3A_505 = tpu.memref_slice %arg5[%run_scoped3A_96, %dma_wait3A_504] : memref<4x128xi32, #tpu.memory_space<vmem>> -> memref<1x128xi32, #tpu.memory_space<vmem>>
      %dma_wait3A_506 = tpu.memref_squeeze %dma_wait3A_505 : memref<1x128xi32, #tpu.memory_space<vmem>> -> memref<128xi32, #tpu.memory_space<vmem>>
      %dma_wait3A_507 = tpu.memref_slice %arg2[%add3A_95] : memref<819200xi32, #tpu.memory_space<hbm>> -> memref<128xi32, #tpu.memory_space<hbm>>
      tpu.wait_dma2 semaphore(%run_scoped3A_491 : memref<!tpu.dma_semaphore, #tpu.memory_space<semaphore_mem>>) src(%dma_wait3A_507 : memref<128xi32, #tpu.memory_space<hbm>>) dst(%dma_wait3A_506 : memref<128xi32, #tpu.memory_space<vmem>>)
      tpu.yield
    }) : () -> ()
    %dma_start3A_97 = arith.constant 1 : i32
    %dma_start3A_98 = arith.constant 1 : i32
    %dma_start3A_99 = arith.constant 0 : i32
    %dma_start3A_100 = tpu.memref_slice %arg5[%dma_start3A_97, %dma_start3A_99] : memref<4x128xi32, #tpu.memory_space<vmem>> -> memref<1x128xi32, #tpu.memory_space<vmem>>
    %dma_start3A_101 = tpu.memref_squeeze %dma_start3A_100 : memref<1x128xi32, #tpu.memory_space<vmem>> -> memref<128xi32, #tpu.memory_space<vmem>>
    %dma_start3A_102 = arith.constant 0 : i32
    %dma_start3A_103 = arith.constant 0 : i32
    %dma_start3A_104 = tpu.memref_slice %arg3[%dma_start3A_102, %dma_start3A_103] : memref<1000000x64xf32, #tpu.memory_space<hbm>> -> memref<1000000x64xf32, #tpu.memory_space<hbm>>
    %dma_start3A_105 = tpu.memref_slice %arg12[%dma_start3A_98] : memref<4x!tpu.dma_semaphore, #tpu.memory_space<semaphore_mem>> -> memref<1x!tpu.dma_semaphore, #tpu.memory_space<semaphore_mem>>
    %dma_start3A_106 = tpu.memref_squeeze %dma_start3A_105 : memref<1x!tpu.dma_semaphore, #tpu.memory_space<semaphore_mem>> -> memref<!tpu.dma_semaphore, #tpu.memory_space<semaphore_mem>>
    tpu.enqueue_indirect_dma source(%dma_start3A_104 : memref<1000000x64xf32, #tpu.memory_space<hbm>>) target(%arg7 : memref<128x64xf32, #tpu.memory_space<vmem>>) offsets(%dma_start3A_101 : memref<128xi32, #tpu.memory_space<vmem>>) semaphore(%dma_start3A_106 : memref<!tpu.dma_semaphore, #tpu.memory_space<semaphore_mem>>)
    %add3A_107 = arith.constant 2 : i32
    %add3A_108 = arith.addi %mul3A_2, %add3A_107 : i32
    %jit3A_109 = arith.constant 32 : i32
    %div3A_110 = arith.divsi %add3A_108, %jit3A_109 : i32
    %sign3A_111 = arith.constant 0 : i32
    %sign3A_112 = arith.cmpi sgt, %add3A_108, %sign3A_111 : i32
    %sign3A_113 = arith.extui %sign3A_112 : i1 to i32
    %sign3A_114 = arith.constant 0 : i32
    %sign3A_115 = arith.cmpi slt, %add3A_108, %sign3A_114 : i32
    %sign3A_116 = arith.extui %sign3A_115 : i1 to i32
    %sign3A_117 = arith.subi %sign3A_113, %sign3A_116 : i32
    %sign3A_118 = arith.constant 0 : i32
    %sign3A_119 = arith.cmpi sgt, %jit3A_109, %sign3A_118 : i32
    %sign3A_120 = arith.extui %sign3A_119 : i1 to i32
    %sign3A_121 = arith.constant 0 : i32
    %sign3A_122 = arith.cmpi slt, %jit3A_109, %sign3A_121 : i32
    %sign3A_123 = arith.extui %sign3A_122 : i1 to i32
    %sign3A_124 = arith.subi %sign3A_120, %sign3A_123 : i32
    %ne3A_125 = arith.cmpi ne, %sign3A_117, %sign3A_124 : i32
    %rem3A_126 = arith.remsi %add3A_108, %jit3A_109 : i32
    %ne3A_127 = arith.constant 0 : i32
    %ne3A_128 = arith.cmpi ne, %rem3A_126, %ne3A_127 : i32
    %and3A_129 = arith.andi %ne3A_125, %ne3A_128 : i1
    %sub3A_130 = arith.constant 1 : i32
    %sub3A_131 = arith.subi %div3A_110, %sub3A_130 : i32
    %select_n3A_132 = arith.select %and3A_129, %sub3A_131, %div3A_110 : i32
    %mul3A_133 = arith.constant 4096 : i32
    %mul3A_134 = arith.muli %select_n3A_132, %mul3A_133 : i32
    %jit3A_135 = arith.constant 32 : i32
    %eq3A_136 = arith.constant 0 : i32
    %eq3A_137 = arith.cmpi eq, %jit3A_135, %eq3A_136 : i32
    %jit3A_138 = arith.constant 1 : i32
    %select_n3A_139 = arith.select %eq3A_137, %jit3A_138, %jit3A_135 : i32
    %rem3A_140 = arith.remsi %add3A_108, %select_n3A_139 : i32
    %ne3A_141 = arith.constant 0 : i32
    %ne3A_142 = arith.cmpi ne, %rem3A_140, %ne3A_141 : i32
    %lt3A_143 = arith.constant 0 : i32
    %lt3A_144 = arith.cmpi slt, %rem3A_140, %lt3A_143 : i32
    %lt3A_145 = arith.constant 0 : i32
    %lt3A_146 = arith.cmpi slt, %select_n3A_139, %lt3A_145 : i32
    %ne3A_147 = arith.xori %lt3A_144, %lt3A_146 : i1
    %and3A_148 = arith.andi %ne3A_147, %ne3A_142 : i1
    %add3A_149 = arith.addi %rem3A_140, %select_n3A_139 : i32
    %select_n3A_150 = arith.select %and3A_148, %add3A_149, %rem3A_140 : i32
    %mul3A_151 = arith.constant 128 : i32
    %mul3A_152 = arith.muli %select_n3A_150, %mul3A_151 : i32
    %add3A_153 = arith.addi %mul3A_134, %mul3A_152 : i32
    %run_scoped3A_154 = arith.constant 2 : i32
    "tpu.region"() ({
      %run_scoped3A_491 = tpu.sem_alloc : memref<!tpu.dma_semaphore, #tpu.memory_space<semaphore_mem>>
      %dma_start3A_492 = arith.constant 0 : i32
      %dma_start3A_493 = tpu.memref_slice %arg5[%run_scoped3A_154, %dma_start3A_492] : memref<4x128xi32, #tpu.memory_space<vmem>> -> memref<1x128xi32, #tpu.memory_space<vmem>>
      %dma_start3A_494 = tpu.memref_squeeze %dma_start3A_493 : memref<1x128xi32, #tpu.memory_space<vmem>> -> memref<128xi32, #tpu.memory_space<vmem>>
      %dma_start3A_495 = tpu.memref_slice %arg2[%add3A_153] : memref<819200xi32, #tpu.memory_space<hbm>> -> memref<128xi32, #tpu.memory_space<hbm>>
      %dma_start3A_496 = arith.constant 0 : i32
      %dma_start3A_497 = tpu.memref_slice %arg5[%run_scoped3A_154, %dma_start3A_496] : memref<4x128xi32, #tpu.memory_space<vmem>> -> memref<1x128xi32, #tpu.memory_space<vmem>>
      %dma_start3A_498 = tpu.memref_squeeze %dma_start3A_497 : memref<1x128xi32, #tpu.memory_space<vmem>> -> memref<128xi32, #tpu.memory_space<vmem>>
      %dma_start3A_499 = tpu.memref_slice %arg2[%add3A_153] : memref<819200xi32, #tpu.memory_space<hbm>> -> memref<128xi32, #tpu.memory_space<hbm>>
      tpu.enqueue_dma source(%dma_start3A_499 : memref<128xi32, #tpu.memory_space<hbm>>) target(%dma_start3A_498 : memref<128xi32, #tpu.memory_space<vmem>>) target_semaphore(%run_scoped3A_491 : memref<!tpu.dma_semaphore, #tpu.memory_space<semaphore_mem>>)
      %dma_wait3A_500 = arith.constant 0 : i32
      %dma_wait3A_501 = tpu.memref_slice %arg5[%run_scoped3A_154, %dma_wait3A_500] : memref<4x128xi32, #tpu.memory_space<vmem>> -> memref<1x128xi32, #tpu.memory_space<vmem>>
      %dma_wait3A_502 = tpu.memref_squeeze %dma_wait3A_501 : memref<1x128xi32, #tpu.memory_space<vmem>> -> memref<128xi32, #tpu.memory_space<vmem>>
      %dma_wait3A_503 = tpu.memref_slice %arg2[%add3A_153] : memref<819200xi32, #tpu.memory_space<hbm>> -> memref<128xi32, #tpu.memory_space<hbm>>
      %dma_wait3A_504 = arith.constant 0 : i32
      %dma_wait3A_505 = tpu.memref_slice %arg5[%run_scoped3A_154, %dma_wait3A_504] : memref<4x128xi32, #tpu.memory_space<vmem>> -> memref<1x128xi32, #tpu.memory_space<vmem>>
      %dma_wait3A_506 = tpu.memref_squeeze %dma_wait3A_505 : memref<1x128xi32, #tpu.memory_space<vmem>> -> memref<128xi32, #tpu.memory_space<vmem>>
      %dma_wait3A_507 = tpu.memref_slice %arg2[%add3A_153] : memref<819200xi32, #tpu.memory_space<hbm>> -> memref<128xi32, #tpu.memory_space<hbm>>
      tpu.wait_dma2 semaphore(%run_scoped3A_491 : memref<!tpu.dma_semaphore, #tpu.memory_space<semaphore_mem>>) src(%dma_wait3A_507 : memref<128xi32, #tpu.memory_space<hbm>>) dst(%dma_wait3A_506 : memref<128xi32, #tpu.memory_space<vmem>>)
      tpu.yield
    }) : () -> ()
    %dma_start3A_155 = arith.constant 2 : i32
    %dma_start3A_156 = arith.constant 2 : i32
    %dma_start3A_157 = arith.constant 0 : i32
    %dma_start3A_158 = tpu.memref_slice %arg5[%dma_start3A_155, %dma_start3A_157] : memref<4x128xi32, #tpu.memory_space<vmem>> -> memref<1x128xi32, #tpu.memory_space<vmem>>
    %dma_start3A_159 = tpu.memref_squeeze %dma_start3A_158 : memref<1x128xi32, #tpu.memory_space<vmem>> -> memref<128xi32, #tpu.memory_space<vmem>>
    %dma_start3A_160 = arith.constant 0 : i32
    %dma_start3A_161 = arith.constant 0 : i32
    %dma_start3A_162 = tpu.memref_slice %arg3[%dma_start3A_160, %dma_start3A_161] : memref<1000000x64xf32, #tpu.memory_space<hbm>> -> memref<1000000x64xf32, #tpu.memory_space<hbm>>
    %dma_start3A_163 = tpu.memref_slice %arg12[%dma_start3A_156] : memref<4x!tpu.dma_semaphore, #tpu.memory_space<semaphore_mem>> -> memref<1x!tpu.dma_semaphore, #tpu.memory_space<semaphore_mem>>
    %dma_start3A_164 = tpu.memref_squeeze %dma_start3A_163 : memref<1x!tpu.dma_semaphore, #tpu.memory_space<semaphore_mem>> -> memref<!tpu.dma_semaphore, #tpu.memory_space<semaphore_mem>>
    tpu.enqueue_indirect_dma source(%dma_start3A_162 : memref<1000000x64xf32, #tpu.memory_space<hbm>>) target(%arg8 : memref<128x64xf32, #tpu.memory_space<vmem>>) offsets(%dma_start3A_159 : memref<128xi32, #tpu.memory_space<vmem>>) semaphore(%dma_start3A_164 : memref<!tpu.dma_semaphore, #tpu.memory_space<semaphore_mem>>)
    %add3A_165 = arith.constant 3 : i32
    %add3A_166 = arith.addi %mul3A_2, %add3A_165 : i32
    %jit3A_167 = arith.constant 32 : i32
    %div3A_168 = arith.divsi %add3A_166, %jit3A_167 : i32
    %sign3A_169 = arith.constant 0 : i32
    %sign3A_170 = arith.cmpi sgt, %add3A_166, %sign3A_169 : i32
    %sign3A_171 = arith.extui %sign3A_170 : i1 to i32
    %sign3A_172 = arith.constant 0 : i32
    %sign3A_173 = arith.cmpi slt, %add3A_166, %sign3A_172 : i32
    %sign3A_174 = arith.extui %sign3A_173 : i1 to i32
    %sign3A_175 = arith.subi %sign3A_171, %sign3A_174 : i32
    %sign3A_176 = arith.constant 0 : i32
    %sign3A_177 = arith.cmpi sgt, %jit3A_167, %sign3A_176 : i32
    %sign3A_178 = arith.extui %sign3A_177 : i1 to i32
    %sign3A_179 = arith.constant 0 : i32
    %sign3A_180 = arith.cmpi slt, %jit3A_167, %sign3A_179 : i32
    %sign3A_181 = arith.extui %sign3A_180 : i1 to i32
    %sign3A_182 = arith.subi %sign3A_178, %sign3A_181 : i32
    %ne3A_183 = arith.cmpi ne, %sign3A_175, %sign3A_182 : i32
    %rem3A_184 = arith.remsi %add3A_166, %jit3A_167 : i32
    %ne3A_185 = arith.constant 0 : i32
    %ne3A_186 = arith.cmpi ne, %rem3A_184, %ne3A_185 : i32
    %and3A_187 = arith.andi %ne3A_183, %ne3A_186 : i1
    %sub3A_188 = arith.constant 1 : i32
    %sub3A_189 = arith.subi %div3A_168, %sub3A_188 : i32
    %select_n3A_190 = arith.select %and3A_187, %sub3A_189, %div3A_168 : i32
    %mul3A_191 = arith.constant 4096 : i32
    %mul3A_192 = arith.muli %select_n3A_190, %mul3A_191 : i32
    %jit3A_193 = arith.constant 32 : i32
    %eq3A_194 = arith.constant 0 : i32
    %eq3A_195 = arith.cmpi eq, %jit3A_193, %eq3A_194 : i32
    %jit3A_196 = arith.constant 1 : i32
    %select_n3A_197 = arith.select %eq3A_195, %jit3A_196, %jit3A_193 : i32
    %rem3A_198 = arith.remsi %add3A_166, %select_n3A_197 : i32
    %ne3A_199 = arith.constant 0 : i32
    %ne3A_200 = arith.cmpi ne, %rem3A_198, %ne3A_199 : i32
    %lt3A_201 = arith.constant 0 : i32
    %lt3A_202 = arith.cmpi slt, %rem3A_198, %lt3A_201 : i32
    %lt3A_203 = arith.constant 0 : i32
    %lt3A_204 = arith.cmpi slt, %select_n3A_197, %lt3A_203 : i32
    %ne3A_205 = arith.xori %lt3A_202, %lt3A_204 : i1
    %and3A_206 = arith.andi %ne3A_205, %ne3A_200 : i1
    %add3A_207 = arith.addi %rem3A_198, %select_n3A_197 : i32
    %select_n3A_208 = arith.select %and3A_206, %add3A_207, %rem3A_198 : i32
    %mul3A_209 = arith.constant 128 : i32
    %mul3A_210 = arith.muli %select_n3A_208, %mul3A_209 : i32
    %add3A_211 = arith.addi %mul3A_192, %mul3A_210 : i32
    %run_scoped3A_212 = arith.constant 3 : i32
    "tpu.region"() ({
      %run_scoped3A_491 = tpu.sem_alloc : memref<!tpu.dma_semaphore, #tpu.memory_space<semaphore_mem>>
      %dma_start3A_492 = arith.constant 0 : i32
      %dma_start3A_493 = tpu.memref_slice %arg5[%run_scoped3A_212, %dma_start3A_492] : memref<4x128xi32, #tpu.memory_space<vmem>> -> memref<1x128xi32, #tpu.memory_space<vmem>>
      %dma_start3A_494 = tpu.memref_squeeze %dma_start3A_493 : memref<1x128xi32, #tpu.memory_space<vmem>> -> memref<128xi32, #tpu.memory_space<vmem>>
      %dma_start3A_495 = tpu.memref_slice %arg2[%add3A_211] : memref<819200xi32, #tpu.memory_space<hbm>> -> memref<128xi32, #tpu.memory_space<hbm>>
      %dma_start3A_496 = arith.constant 0 : i32
      %dma_start3A_497 = tpu.memref_slice %arg5[%run_scoped3A_212, %dma_start3A_496] : memref<4x128xi32, #tpu.memory_space<vmem>> -> memref<1x128xi32, #tpu.memory_space<vmem>>
      %dma_start3A_498 = tpu.memref_squeeze %dma_start3A_497 : memref<1x128xi32, #tpu.memory_space<vmem>> -> memref<128xi32, #tpu.memory_space<vmem>>
      %dma_start3A_499 = tpu.memref_slice %arg2[%add3A_211] : memref<819200xi32, #tpu.memory_space<hbm>> -> memref<128xi32, #tpu.memory_space<hbm>>
      tpu.enqueue_dma source(%dma_start3A_499 : memref<128xi32, #tpu.memory_space<hbm>>) target(%dma_start3A_498 : memref<128xi32, #tpu.memory_space<vmem>>) target_semaphore(%run_scoped3A_491 : memref<!tpu.dma_semaphore, #tpu.memory_space<semaphore_mem>>)
      %dma_wait3A_500 = arith.constant 0 : i32
      %dma_wait3A_501 = tpu.memref_slice %arg5[%run_scoped3A_212, %dma_wait3A_500] : memref<4x128xi32, #tpu.memory_space<vmem>> -> memref<1x128xi32, #tpu.memory_space<vmem>>
      %dma_wait3A_502 = tpu.memref_squeeze %dma_wait3A_501 : memref<1x128xi32, #tpu.memory_space<vmem>> -> memref<128xi32, #tpu.memory_space<vmem>>
      %dma_wait3A_503 = tpu.memref_slice %arg2[%add3A_211] : memref<819200xi32, #tpu.memory_space<hbm>> -> memref<128xi32, #tpu.memory_space<hbm>>
      %dma_wait3A_504 = arith.constant 0 : i32
      %dma_wait3A_505 = tpu.memref_slice %arg5[%run_scoped3A_212, %dma_wait3A_504] : memref<4x128xi32, #tpu.memory_space<vmem>> -> memref<1x128xi32, #tpu.memory_space<vmem>>
      %dma_wait3A_506 = tpu.memref_squeeze %dma_wait3A_505 : memref<1x128xi32, #tpu.memory_space<vmem>> -> memref<128xi32, #tpu.memory_space<vmem>>
      %dma_wait3A_507 = tpu.memref_slice %arg2[%add3A_211] : memref<819200xi32, #tpu.memory_space<hbm>> -> memref<128xi32, #tpu.memory_space<hbm>>
      tpu.wait_dma2 semaphore(%run_scoped3A_491 : memref<!tpu.dma_semaphore, #tpu.memory_space<semaphore_mem>>) src(%dma_wait3A_507 : memref<128xi32, #tpu.memory_space<hbm>>) dst(%dma_wait3A_506 : memref<128xi32, #tpu.memory_space<vmem>>)
      tpu.yield
    }) : () -> ()
    %dma_start3A_213 = arith.constant 3 : i32
    %dma_start3A_214 = arith.constant 3 : i32
    %dma_start3A_215 = arith.constant 0 : i32
    %dma_start3A_216 = tpu.memref_slice %arg5[%dma_start3A_213, %dma_start3A_215] : memref<4x128xi32, #tpu.memory_space<vmem>> -> memref<1x128xi32, #tpu.memory_space<vmem>>
    %dma_start3A_217 = tpu.memref_squeeze %dma_start3A_216 : memref<1x128xi32, #tpu.memory_space<vmem>> -> memref<128xi32, #tpu.memory_space<vmem>>
    %dma_start3A_218 = arith.constant 0 : i32
    %dma_start3A_219 = arith.constant 0 : i32
    %dma_start3A_220 = tpu.memref_slice %arg3[%dma_start3A_218, %dma_start3A_219] : memref<1000000x64xf32, #tpu.memory_space<hbm>> -> memref<1000000x64xf32, #tpu.memory_space<hbm>>
    %dma_start3A_221 = tpu.memref_slice %arg12[%dma_start3A_214] : memref<4x!tpu.dma_semaphore, #tpu.memory_space<semaphore_mem>> -> memref<1x!tpu.dma_semaphore, #tpu.memory_space<semaphore_mem>>
    %dma_start3A_222 = tpu.memref_squeeze %dma_start3A_221 : memref<1x!tpu.dma_semaphore, #tpu.memory_space<semaphore_mem>> -> memref<!tpu.dma_semaphore, #tpu.memory_space<semaphore_mem>>
    tpu.enqueue_indirect_dma source(%dma_start3A_220 : memref<1000000x64xf32, #tpu.memory_space<hbm>>) target(%arg9 : memref<128x64xf32, #tpu.memory_space<vmem>>) offsets(%dma_start3A_217 : memref<128xi32, #tpu.memory_space<vmem>>) semaphore(%dma_start3A_222 : memref<!tpu.dma_semaphore, #tpu.memory_space<semaphore_mem>>)
    %scan3A = arith.constant 0 : i32
    %scan3A_223 = arith.constant 0 : i32
    %scan3A_224 = arith.constant 50 : i32
    %scan3A_225 = arith.addi %scan3A_223, %scan3A_224 : i32
    %scan3A_226 = arith.constant 1 : i32
    scf.for %scan3A_491 = %scan3A_223 to %scan3A_225 step %scan3A_226  : i32 {
      %mul3A_492 = arith.constant 4 : i32
      %mul3A_493 = arith.muli %scan3A_491, %mul3A_492 : i32
      %add3A_494 = arith.addi %mul3A_2, %mul3A_493 : i32
      %add3A_495 = arith.constant 0 : i32
      %add3A_496 = arith.addi %add3A_494, %add3A_495 : i32
      %le3A = arith.constant 48 : i32
      %le3A_497 = arith.cmpi sle, %scan3A_491, %le3A : i32
      %dma_wait3A_498 = arith.constant 0 : i32
      %dma_wait3A_499 = arith.constant 0 : i32
      %dma_wait3A_500 = arith.constant 0 : i32
      %dma_wait3A_501 = tpu.memref_slice %arg5[%dma_wait3A_498, %dma_wait3A_500] : memref<4x128xi32, #tpu.memory_space<vmem>> -> memref<1x128xi32, #tpu.memory_space<vmem>>
      %dma_wait3A_502 = tpu.memref_squeeze %dma_wait3A_501 : memref<1x128xi32, #tpu.memory_space<vmem>> -> memref<128xi32, #tpu.memory_space<vmem>>
      %dma_wait3A_503 = arith.constant 0 : i32
      %dma_wait3A_504 = arith.constant 0 : i32
      %dma_wait3A_505 = tpu.memref_slice %arg3[%dma_wait3A_503, %dma_wait3A_504] : memref<1000000x64xf32, #tpu.memory_space<hbm>> -> memref<1000000x64xf32, #tpu.memory_space<hbm>>
      %dma_wait3A_506 = tpu.memref_slice %arg12[%dma_wait3A_499] : memref<4x!tpu.dma_semaphore, #tpu.memory_space<semaphore_mem>> -> memref<1x!tpu.dma_semaphore, #tpu.memory_space<semaphore_mem>>
      %dma_wait3A_507 = tpu.memref_squeeze %dma_wait3A_506 : memref<1x!tpu.dma_semaphore, #tpu.memory_space<semaphore_mem>> -> memref<!tpu.dma_semaphore, #tpu.memory_space<semaphore_mem>>
      tpu.wait_indirect_dma semaphore(%dma_wait3A_507 : memref<!tpu.dma_semaphore, #tpu.memory_space<semaphore_mem>>) src(%dma_wait3A_505 : memref<1000000x64xf32, #tpu.memory_space<hbm>>) dst(%arg6 : memref<128x64xf32, #tpu.memory_space<vmem>>)
      %convert_element_type3A = arith.extui %le3A_497 : i1 to i32
      %cond3A = arith.constant 0 : i32
      %cond3A_508 = arith.cmpi ne, %convert_element_type3A, %cond3A : i32
      scf.if %cond3A_508 {
        %add3A_840 = arith.constant 4 : i32
        %add3A_841 = arith.addi %add3A_496, %add3A_840 : i32
        %jit3A_842 = arith.constant 32 : i32
        %div3A_843 = arith.divsi %add3A_841, %jit3A_842 : i32
        %sign3A_844 = arith.constant 0 : i32
        %sign3A_845 = arith.cmpi sgt, %add3A_841, %sign3A_844 : i32
        %sign3A_846 = arith.extui %sign3A_845 : i1 to i32
        %sign3A_847 = arith.constant 0 : i32
        %sign3A_848 = arith.cmpi slt, %add3A_841, %sign3A_847 : i32
        %sign3A_849 = arith.extui %sign3A_848 : i1 to i32
        %sign3A_850 = arith.subi %sign3A_846, %sign3A_849 : i32
        %sign3A_851 = arith.constant 0 : i32
        %sign3A_852 = arith.cmpi sgt, %jit3A_842, %sign3A_851 : i32
        %sign3A_853 = arith.extui %sign3A_852 : i1 to i32
        %sign3A_854 = arith.constant 0 : i32
        %sign3A_855 = arith.cmpi slt, %jit3A_842, %sign3A_854 : i32
        %sign3A_856 = arith.extui %sign3A_855 : i1 to i32
        %sign3A_857 = arith.subi %sign3A_853, %sign3A_856 : i32
        %ne3A_858 = arith.cmpi ne, %sign3A_850, %sign3A_857 : i32
        %rem3A_859 = arith.remsi %add3A_841, %jit3A_842 : i32
        %ne3A_860 = arith.constant 0 : i32
        %ne3A_861 = arith.cmpi ne, %rem3A_859, %ne3A_860 : i32
        %and3A_862 = arith.andi %ne3A_858, %ne3A_861 : i1
        %sub3A_863 = arith.constant 1 : i32
        %sub3A_864 = arith.subi %div3A_843, %sub3A_863 : i32
        %select_n3A_865 = arith.select %and3A_862, %sub3A_864, %div3A_843 : i32
        %mul3A_866 = arith.constant 4096 : i32
        %mul3A_867 = arith.muli %select_n3A_865, %mul3A_866 : i32
        %jit3A_868 = arith.constant 32 : i32
        %eq3A_869 = arith.constant 0 : i32
        %eq3A_870 = arith.cmpi eq, %jit3A_868, %eq3A_869 : i32
        %jit3A_871 = arith.constant 1 : i32
        %select_n3A_872 = arith.select %eq3A_870, %jit3A_871, %jit3A_868 : i32
        %rem3A_873 = arith.remsi %add3A_841, %select_n3A_872 : i32
        %ne3A_874 = arith.constant 0 : i32
        %ne3A_875 = arith.cmpi ne, %rem3A_873, %ne3A_874 : i32
        %lt3A_876 = arith.constant 0 : i32
        %lt3A_877 = arith.cmpi slt, %rem3A_873, %lt3A_876 : i32
        %lt3A_878 = arith.constant 0 : i32
        %lt3A_879 = arith.cmpi slt, %select_n3A_872, %lt3A_878 : i32
        %ne3A_880 = arith.xori %lt3A_877, %lt3A_879 : i1
        %and3A_881 = arith.andi %ne3A_880, %ne3A_875 : i1
        %add3A_882 = arith.addi %rem3A_873, %select_n3A_872 : i32
        %select_n3A_883 = arith.select %and3A_881, %add3A_882, %rem3A_873 : i32
        %mul3A_884 = arith.constant 128 : i32
        %mul3A_885 = arith.muli %select_n3A_883, %mul3A_884 : i32
        %add3A_886 = arith.addi %mul3A_867, %mul3A_885 : i32
        %dma_start3A_887 = arith.constant 0 : i32
        %dma_start3A_888 = arith.constant 0 : i32
        %dma_start3A_889 = arith.constant 0 : i32
        %dma_start3A_890 = tpu.memref_slice %arg5[%dma_start3A_887, %dma_start3A_889] : memref<4x128xi32, #tpu.memory_space<vmem>> -> memref<1x128xi32, #tpu.memory_space<vmem>>
        %dma_start3A_891 = tpu.memref_squeeze %dma_start3A_890 : memref<1x128xi32, #tpu.memory_space<vmem>> -> memref<128xi32, #tpu.memory_space<vmem>>
        %dma_start3A_892 = tpu.memref_slice %arg2[%add3A_886] : memref<819200xi32, #tpu.memory_space<hbm>> -> memref<128xi32, #tpu.memory_space<hbm>>
        %dma_start3A_893 = tpu.memref_slice %arg11[%dma_start3A_888] : memref<4x!tpu.dma_semaphore, #tpu.memory_space<semaphore_mem>> -> memref<1x!tpu.dma_semaphore, #tpu.memory_space<semaphore_mem>>
        %dma_start3A_894 = tpu.memref_squeeze %dma_start3A_893 : memref<1x!tpu.dma_semaphore, #tpu.memory_space<semaphore_mem>> -> memref<!tpu.dma_semaphore, #tpu.memory_space<semaphore_mem>>
        %dma_start3A_895 = arith.constant 0 : i32
        %dma_start3A_896 = tpu.memref_slice %arg5[%dma_start3A_887, %dma_start3A_895] : memref<4x128xi32, #tpu.memory_space<vmem>> -> memref<1x128xi32, #tpu.memory_space<vmem>>
        %dma_start3A_897 = tpu.memref_squeeze %dma_start3A_896 : memref<1x128xi32, #tpu.memory_space<vmem>> -> memref<128xi32, #tpu.memory_space<vmem>>
        %dma_start3A_898 = tpu.memref_slice %arg2[%add3A_886] : memref<819200xi32, #tpu.memory_space<hbm>> -> memref<128xi32, #tpu.memory_space<hbm>>
        tpu.enqueue_dma source(%dma_start3A_898 : memref<128xi32, #tpu.memory_space<hbm>>) target(%dma_start3A_897 : memref<128xi32, #tpu.memory_space<vmem>>) target_semaphore(%dma_start3A_894 : memref<!tpu.dma_semaphore, #tpu.memory_space<semaphore_mem>>)
      } else {
      }
      %ge3A = arith.constant 1 : i32
      %ge3A_509 = arith.cmpi sge, %scan3A_491, %ge3A : i32
      %convert_element_type3A_510 = arith.extui %ge3A_509 : i1 to i32
      %cond3A_511 = arith.constant 0 : i32
      %cond3A_512 = arith.cmpi ne, %convert_element_type3A_510, %cond3A_511 : i32
      scf.if %cond3A_512 {
        %sub3A_840 = arith.constant 4 : i32
        %sub3A_841 = arith.subi %add3A_496, %sub3A_840 : i32
        %jit3A_842 = arith.constant 32 : i32
        %div3A_843 = arith.divsi %sub3A_841, %jit3A_842 : i32
        %sign3A_844 = arith.constant 0 : i32
        %sign3A_845 = arith.cmpi sgt, %sub3A_841, %sign3A_844 : i32
        %sign3A_846 = arith.extui %sign3A_845 : i1 to i32
        %sign3A_847 = arith.constant 0 : i32
        %sign3A_848 = arith.cmpi slt, %sub3A_841, %sign3A_847 : i32
        %sign3A_849 = arith.extui %sign3A_848 : i1 to i32
        %sign3A_850 = arith.subi %sign3A_846, %sign3A_849 : i32
        %sign3A_851 = arith.constant 0 : i32
        %sign3A_852 = arith.cmpi sgt, %jit3A_842, %sign3A_851 : i32
        %sign3A_853 = arith.extui %sign3A_852 : i1 to i32
        %sign3A_854 = arith.constant 0 : i32
        %sign3A_855 = arith.cmpi slt, %jit3A_842, %sign3A_854 : i32
        %sign3A_856 = arith.extui %sign3A_855 : i1 to i32
        %sign3A_857 = arith.subi %sign3A_853, %sign3A_856 : i32
        %ne3A_858 = arith.cmpi ne, %sign3A_850, %sign3A_857 : i32
        %rem3A_859 = arith.remsi %sub3A_841, %jit3A_842 : i32
        %ne3A_860 = arith.constant 0 : i32
        %ne3A_861 = arith.cmpi ne, %rem3A_859, %ne3A_860 : i32
        %and3A_862 = arith.andi %ne3A_858, %ne3A_861 : i1
        %sub3A_863 = arith.constant 1 : i32
        %sub3A_864 = arith.subi %div3A_843, %sub3A_863 : i32
        %select_n3A_865 = arith.select %and3A_862, %sub3A_864, %div3A_843 : i32
        %jit3A_866 = arith.constant 32 : i32
        %eq3A_867 = arith.constant 0 : i32
        %eq3A_868 = arith.cmpi eq, %jit3A_866, %eq3A_867 : i32
        %jit3A_869 = arith.constant 1 : i32
        %select_n3A_870 = arith.select %eq3A_868, %jit3A_869, %jit3A_866 : i32
        %rem3A_871 = arith.remsi %sub3A_841, %select_n3A_870 : i32
        %ne3A_872 = arith.constant 0 : i32
        %ne3A_873 = arith.cmpi ne, %rem3A_871, %ne3A_872 : i32
        %lt3A_874 = arith.constant 0 : i32
        %lt3A_875 = arith.cmpi slt, %rem3A_871, %lt3A_874 : i32
        %lt3A_876 = arith.constant 0 : i32
        %lt3A_877 = arith.cmpi slt, %select_n3A_870, %lt3A_876 : i32
        %ne3A_878 = arith.xori %lt3A_875, %lt3A_877 : i1
        %and3A_879 = arith.andi %ne3A_878, %ne3A_873 : i1
        %add3A_880 = arith.addi %rem3A_871, %select_n3A_870 : i32
        %select_n3A_881 = arith.select %and3A_879, %add3A_880, %rem3A_871 : i32
        %mul3A_882 = arith.constant 128 : i32
        %mul3A_883 = arith.muli %select_n3A_881, %mul3A_882 : i32
        %dma_wait3A_884 = arith.constant 0 : i32
        %dma_wait3A_885 = arith.constant 0 : i32
        %dma_wait3A_886 = arith.constant 0 : i32
        %dma_wait3A_887 = arith.constant 0 : i32
        %dma_wait3A_888 = tpu.memref_slice %arg10[%dma_wait3A_884, %dma_wait3A_886, %dma_wait3A_887] : memref<4x64x128xf32, #tpu.memory_space<vmem>> -> memref<1x64x128xf32, #tpu.memory_space<vmem>>
        %dma_wait3A_889 = tpu.memref_squeeze %dma_wait3A_888 : memref<1x64x128xf32, #tpu.memory_space<vmem>> -> memref<64x128xf32, #tpu.memory_space<vmem>>
        %dma_wait3A_890 = arith.constant 0 : i32
        %dma_wait3A_891 = tpu.memref_slice %arg4[%select_n3A_865, %dma_wait3A_890, %mul3A_883] : memref<200x64x4096xf32, #tpu.memory_space<hbm>> -> memref<1x64x128xf32, #tpu.memory_space<hbm>>
        %dma_wait3A_892 = tpu.memref_squeeze %dma_wait3A_891 : memref<1x64x128xf32, #tpu.memory_space<hbm>> -> memref<64x128xf32, #tpu.memory_space<hbm>>
        %dma_wait3A_893 = tpu.memref_slice %arg13[%dma_wait3A_885] : memref<4x!tpu.dma_semaphore, #tpu.memory_space<semaphore_mem>> -> memref<1x!tpu.dma_semaphore, #tpu.memory_space<semaphore_mem>>
        %dma_wait3A_894 = tpu.memref_squeeze %dma_wait3A_893 : memref<1x!tpu.dma_semaphore, #tpu.memory_space<semaphore_mem>> -> memref<!tpu.dma_semaphore, #tpu.memory_space<semaphore_mem>>
        %dma_wait3A_895 = arith.constant 0 : i32
        %dma_wait3A_896 = tpu.memref_slice %arg4[%select_n3A_865, %dma_wait3A_895, %mul3A_883] : memref<200x64x4096xf32, #tpu.memory_space<hbm>> -> memref<1x64x128xf32, #tpu.memory_space<hbm>>
        %dma_wait3A_897 = tpu.memref_squeeze %dma_wait3A_896 : memref<1x64x128xf32, #tpu.memory_space<hbm>> -> memref<64x128xf32, #tpu.memory_space<hbm>>
        %dma_wait3A_898 = arith.constant 0 : i32
        %dma_wait3A_899 = arith.constant 0 : i32
        %dma_wait3A_900 = tpu.memref_slice %arg10[%dma_wait3A_884, %dma_wait3A_898, %dma_wait3A_899] : memref<4x64x128xf32, #tpu.memory_space<vmem>> -> memref<1x64x128xf32, #tpu.memory_space<vmem>>
        %dma_wait3A_901 = tpu.memref_squeeze %dma_wait3A_900 : memref<1x64x128xf32, #tpu.memory_space<vmem>> -> memref<64x128xf32, #tpu.memory_space<vmem>>
        tpu.wait_dma2 semaphore(%dma_wait3A_894 : memref<!tpu.dma_semaphore, #tpu.memory_space<semaphore_mem>>) src(%dma_wait3A_901 : memref<64x128xf32, #tpu.memory_space<vmem>>) dst(%dma_wait3A_897 : memref<64x128xf32, #tpu.memory_space<hbm>>)
      } else {
      }
      %convert_element_type3A_513 = arith.extui %le3A_497 : i1 to i32
      %cond3A_514 = arith.constant 0 : i32
      %cond3A_515 = arith.cmpi ne, %convert_element_type3A_513, %cond3A_514 : i32
      scf.if %cond3A_515 {
        %add3A_840 = arith.constant 4 : i32
        %add3A_841 = arith.addi %add3A_496, %add3A_840 : i32
        %jit3A_842 = arith.constant 32 : i32
        %div3A_843 = arith.divsi %add3A_841, %jit3A_842 : i32
        %sign3A_844 = arith.constant 0 : i32
        %sign3A_845 = arith.cmpi sgt, %add3A_841, %sign3A_844 : i32
        %sign3A_846 = arith.extui %sign3A_845 : i1 to i32
        %sign3A_847 = arith.constant 0 : i32
        %sign3A_848 = arith.cmpi slt, %add3A_841, %sign3A_847 : i32
        %sign3A_849 = arith.extui %sign3A_848 : i1 to i32
        %sign3A_850 = arith.subi %sign3A_846, %sign3A_849 : i32
        %sign3A_851 = arith.constant 0 : i32
        %sign3A_852 = arith.cmpi sgt, %jit3A_842, %sign3A_851 : i32
        %sign3A_853 = arith.extui %sign3A_852 : i1 to i32
        %sign3A_854 = arith.constant 0 : i32
        %sign3A_855 = arith.cmpi slt, %jit3A_842, %sign3A_854 : i32
        %sign3A_856 = arith.extui %sign3A_855 : i1 to i32
        %sign3A_857 = arith.subi %sign3A_853, %sign3A_856 : i32
        %ne3A_858 = arith.cmpi ne, %sign3A_850, %sign3A_857 : i32
        %rem3A_859 = arith.remsi %add3A_841, %jit3A_842 : i32
        %ne3A_860 = arith.constant 0 : i32
        %ne3A_861 = arith.cmpi ne, %rem3A_859, %ne3A_860 : i32
        %and3A_862 = arith.andi %ne3A_858, %ne3A_861 : i1
        %sub3A_863 = arith.constant 1 : i32
        %sub3A_864 = arith.subi %div3A_843, %sub3A_863 : i32
        %select_n3A_865 = arith.select %and3A_862, %sub3A_864, %div3A_843 : i32
        %mul3A_866 = arith.constant 4096 : i32
        %mul3A_867 = arith.muli %select_n3A_865, %mul3A_866 : i32
        %jit3A_868 = arith.constant 32 : i32
        %eq3A_869 = arith.constant 0 : i32
        %eq3A_870 = arith.cmpi eq, %jit3A_868, %eq3A_869 : i32
        %jit3A_871 = arith.constant 1 : i32
        %select_n3A_872 = arith.select %eq3A_870, %jit3A_871, %jit3A_868 : i32
        %rem3A_873 = arith.remsi %add3A_841, %select_n3A_872 : i32
        %ne3A_874 = arith.constant 0 : i32
        %ne3A_875 = arith.cmpi ne, %rem3A_873, %ne3A_874 : i32
        %lt3A_876 = arith.constant 0 : i32
        %lt3A_877 = arith.cmpi slt, %rem3A_873, %lt3A_876 : i32
        %lt3A_878 = arith.constant 0 : i32
        %lt3A_879 = arith.cmpi slt, %select_n3A_872, %lt3A_878 : i32
        %ne3A_880 = arith.xori %lt3A_877, %lt3A_879 : i1
        %and3A_881 = arith.andi %ne3A_880, %ne3A_875 : i1
        %add3A_882 = arith.addi %rem3A_873, %select_n3A_872 : i32
        %select_n3A_883 = arith.select %and3A_881, %add3A_882, %rem3A_873 : i32
        %mul3A_884 = arith.constant 128 : i32
        %mul3A_885 = arith.muli %select_n3A_883, %mul3A_884 : i32
        %add3A_886 = arith.addi %mul3A_867, %mul3A_885 : i32
        %dma_wait3A_887 = arith.constant 0 : i32
        %dma_wait3A_888 = arith.constant 0 : i32
        %dma_wait3A_889 = arith.constant 0 : i32
        %dma_wait3A_890 = tpu.memref_slice %arg5[%dma_wait3A_887, %dma_wait3A_889] : memref<4x128xi32, #tpu.memory_space<vmem>> -> memref<1x128xi32, #tpu.memory_space<vmem>>
        %dma_wait3A_891 = tpu.memref_squeeze %dma_wait3A_890 : memref<1x128xi32, #tpu.memory_space<vmem>> -> memref<128xi32, #tpu.memory_space<vmem>>
        %dma_wait3A_892 = tpu.memref_slice %arg2[%add3A_886] : memref<819200xi32, #tpu.memory_space<hbm>> -> memref<128xi32, #tpu.memory_space<hbm>>
        %dma_wait3A_893 = tpu.memref_slice %arg11[%dma_wait3A_888] : memref<4x!tpu.dma_semaphore, #tpu.memory_space<semaphore_mem>> -> memref<1x!tpu.dma_semaphore, #tpu.memory_space<semaphore_mem>>
        %dma_wait3A_894 = tpu.memref_squeeze %dma_wait3A_893 : memref<1x!tpu.dma_semaphore, #tpu.memory_space<semaphore_mem>> -> memref<!tpu.dma_semaphore, #tpu.memory_space<semaphore_mem>>
        %dma_wait3A_895 = arith.constant 0 : i32
        %dma_wait3A_896 = tpu.memref_slice %arg5[%dma_wait3A_887, %dma_wait3A_895] : memref<4x128xi32, #tpu.memory_space<vmem>> -> memref<1x128xi32, #tpu.memory_space<vmem>>
        %dma_wait3A_897 = tpu.memref_squeeze %dma_wait3A_896 : memref<1x128xi32, #tpu.memory_space<vmem>> -> memref<128xi32, #tpu.memory_space<vmem>>
        %dma_wait3A_898 = tpu.memref_slice %arg2[%add3A_886] : memref<819200xi32, #tpu.memory_space<hbm>> -> memref<128xi32, #tpu.memory_space<hbm>>
        tpu.wait_dma2 semaphore(%dma_wait3A_894 : memref<!tpu.dma_semaphore, #tpu.memory_space<semaphore_mem>>) src(%dma_wait3A_898 : memref<128xi32, #tpu.memory_space<hbm>>) dst(%dma_wait3A_897 : memref<128xi32, #tpu.memory_space<vmem>>)
        %dma_start3A_899 = arith.constant 0 : i32
        %dma_start3A_900 = arith.constant 0 : i32
        %dma_start3A_901 = arith.constant 0 : i32
        %dma_start3A_902 = tpu.memref_slice %arg5[%dma_start3A_899, %dma_start3A_901] : memref<4x128xi32, #tpu.memory_space<vmem>> -> memref<1x128xi32, #tpu.memory_space<vmem>>
        %dma_start3A_903 = tpu.memref_squeeze %dma_start3A_902 : memref<1x128xi32, #tpu.memory_space<vmem>> -> memref<128xi32, #tpu.memory_space<vmem>>
        %dma_start3A_904 = arith.constant 0 : i32
        %dma_start3A_905 = arith.constant 0 : i32
        %dma_start3A_906 = tpu.memref_slice %arg3[%dma_start3A_904, %dma_start3A_905] : memref<1000000x64xf32, #tpu.memory_space<hbm>> -> memref<1000000x64xf32, #tpu.memory_space<hbm>>
        %dma_start3A_907 = tpu.memref_slice %arg12[%dma_start3A_900] : memref<4x!tpu.dma_semaphore, #tpu.memory_space<semaphore_mem>> -> memref<1x!tpu.dma_semaphore, #tpu.memory_space<semaphore_mem>>
        %dma_start3A_908 = tpu.memref_squeeze %dma_start3A_907 : memref<1x!tpu.dma_semaphore, #tpu.memory_space<semaphore_mem>> -> memref<!tpu.dma_semaphore, #tpu.memory_space<semaphore_mem>>
        tpu.enqueue_indirect_dma source(%dma_start3A_906 : memref<1000000x64xf32, #tpu.memory_space<hbm>>) target(%arg6 : memref<128x64xf32, #tpu.memory_space<vmem>>) offsets(%dma_start3A_903 : memref<128xi32, #tpu.memory_space<vmem>>) semaphore(%dma_start3A_908 : memref<!tpu.dma_semaphore, #tpu.memory_space<semaphore_mem>>)
      } else {
      }
      %jit3A_516 = arith.constant 32 : i32
      %div3A_517 = arith.divsi %add3A_496, %jit3A_516 : i32
      %sign3A_518 = arith.constant 0 : i32
      %sign3A_519 = arith.cmpi sgt, %add3A_496, %sign3A_518 : i32
      %sign3A_520 = arith.extui %sign3A_519 : i1 to i32
      %sign3A_521 = arith.constant 0 : i32
      %sign3A_522 = arith.cmpi slt, %add3A_496, %sign3A_521 : i32
      %sign3A_523 = arith.extui %sign3A_522 : i1 to i32
      %sign3A_524 = arith.subi %sign3A_520, %sign3A_523 : i32
      %sign3A_525 = arith.constant 0 : i32
      %sign3A_526 = arith.cmpi sgt, %jit3A_516, %sign3A_525 : i32
      %sign3A_527 = arith.extui %sign3A_526 : i1 to i32
      %sign3A_528 = arith.constant 0 : i32
      %sign3A_529 = arith.cmpi slt, %jit3A_516, %sign3A_528 : i32
      %sign3A_530 = arith.extui %sign3A_529 : i1 to i32
      %sign3A_531 = arith.subi %sign3A_527, %sign3A_530 : i32
      %ne3A_532 = arith.cmpi ne, %sign3A_524, %sign3A_531 : i32
      %rem3A_533 = arith.remsi %add3A_496, %jit3A_516 : i32
      %ne3A_534 = arith.constant 0 : i32
      %ne3A_535 = arith.cmpi ne, %rem3A_533, %ne3A_534 : i32
      %and3A_536 = arith.andi %ne3A_532, %ne3A_535 : i1
      %sub3A_537 = arith.constant 1 : i32
      %sub3A_538 = arith.subi %div3A_517, %sub3A_537 : i32
      %select_n3A_539 = arith.select %and3A_536, %sub3A_538, %div3A_517 : i32
      %jit3A_540 = arith.constant 32 : i32
      %eq3A_541 = arith.constant 0 : i32
      %eq3A_542 = arith.cmpi eq, %jit3A_540, %eq3A_541 : i32
      %jit3A_543 = arith.constant 1 : i32
      %select_n3A_544 = arith.select %eq3A_542, %jit3A_543, %jit3A_540 : i32
      %rem3A_545 = arith.remsi %add3A_496, %select_n3A_544 : i32
      %ne3A_546 = arith.constant 0 : i32
      %ne3A_547 = arith.cmpi ne, %rem3A_545, %ne3A_546 : i32
      %lt3A_548 = arith.constant 0 : i32
      %lt3A_549 = arith.cmpi slt, %rem3A_545, %lt3A_548 : i32
      %lt3A_550 = arith.constant 0 : i32
      %lt3A_551 = arith.cmpi slt, %select_n3A_544, %lt3A_550 : i32
      %ne3A_552 = arith.xori %lt3A_549, %lt3A_551 : i1
      %and3A_553 = arith.andi %ne3A_552, %ne3A_547 : i1
      %add3A_554 = arith.addi %rem3A_545, %select_n3A_544 : i32
      %select_n3A_555 = arith.select %and3A_553, %add3A_554, %rem3A_545 : i32
      %mul3A_556 = arith.constant 128 : i32
      %mul3A_557 = arith.muli %select_n3A_555, %mul3A_556 : i32
      %dma_start3A_558 = arith.constant 0 : i32
      %dma_start3A_559 = arith.constant 0 : i32
      %dma_start3A_560 = arith.constant 0 : i32
      %dma_start3A_561 = arith.constant 0 : i32
      %dma_start3A_562 = tpu.memref_slice %arg10[%dma_start3A_558, %dma_start3A_560, %dma_start3A_561] : memref<4x64x128xf32, #tpu.memory_space<vmem>> -> memref<1x64x128xf32, #tpu.memory_space<vmem>>
      %dma_start3A_563 = tpu.memref_squeeze %dma_start3A_562 : memref<1x64x128xf32, #tpu.memory_space<vmem>> -> memref<64x128xf32, #tpu.memory_space<vmem>>
      %dma_start3A_564 = arith.constant 0 : i32
      %dma_start3A_565 = tpu.memref_slice %arg4[%select_n3A_539, %dma_start3A_564, %mul3A_557] : memref<200x64x4096xf32, #tpu.memory_space<hbm>> -> memref<1x64x128xf32, #tpu.memory_space<hbm>>
      %dma_start3A_566 = tpu.memref_squeeze %dma_start3A_565 : memref<1x64x128xf32, #tpu.memory_space<hbm>> -> memref<64x128xf32, #tpu.memory_space<hbm>>
      %dma_start3A_567 = tpu.memref_slice %arg13[%dma_start3A_559] : memref<4x!tpu.dma_semaphore, #tpu.memory_space<semaphore_mem>> -> memref<1x!tpu.dma_semaphore, #tpu.memory_space<semaphore_mem>>
      %dma_start3A_568 = tpu.memref_squeeze %dma_start3A_567 : memref<1x!tpu.dma_semaphore, #tpu.memory_space<semaphore_mem>> -> memref<!tpu.dma_semaphore, #tpu.memory_space<semaphore_mem>>
      %dma_start3A_569 = arith.constant 0 : i32
      %dma_start3A_570 = tpu.memref_slice %arg4[%select_n3A_539, %dma_start3A_569, %mul3A_557] : memref<200x64x4096xf32, #tpu.memory_space<hbm>> -> memref<1x64x128xf32, #tpu.memory_space<hbm>>
      %dma_start3A_571 = tpu.memref_squeeze %dma_start3A_570 : memref<1x64x128xf32, #tpu.memory_space<hbm>> -> memref<64x128xf32, #tpu.memory_space<hbm>>
      %dma_start3A_572 = arith.constant 0 : i32
      %dma_start3A_573 = arith.constant 0 : i32
      %dma_start3A_574 = tpu.memref_slice %arg10[%dma_start3A_558, %dma_start3A_572, %dma_start3A_573] : memref<4x64x128xf32, #tpu.memory_space<vmem>> -> memref<1x64x128xf32, #tpu.memory_space<vmem>>
      %dma_start3A_575 = tpu.memref_squeeze %dma_start3A_574 : memref<1x64x128xf32, #tpu.memory_space<vmem>> -> memref<64x128xf32, #tpu.memory_space<vmem>>
      tpu.enqueue_dma source(%dma_start3A_575 : memref<64x128xf32, #tpu.memory_space<vmem>>) target(%dma_start3A_571 : memref<64x128xf32, #tpu.memory_space<hbm>>) target_semaphore(%dma_start3A_568 : memref<!tpu.dma_semaphore, #tpu.memory_space<semaphore_mem>>)
      %mul3A_576 = arith.constant 4 : i32
      %mul3A_577 = arith.muli %scan3A_491, %mul3A_576 : i32
      %add3A_578 = arith.addi %mul3A_2, %mul3A_577 : i32
      %add3A_579 = arith.constant 1 : i32
      %add3A_580 = arith.addi %add3A_578, %add3A_579 : i32
      %le3A_581 = arith.constant 48 : i32
      %le3A_582 = arith.cmpi sle, %scan3A_491, %le3A_581 : i32
      %dma_wait3A_583 = arith.constant 1 : i32
      %dma_wait3A_584 = arith.constant 1 : i32
      %dma_wait3A_585 = arith.constant 0 : i32
      %dma_wait3A_586 = tpu.memref_slice %arg5[%dma_wait3A_583, %dma_wait3A_585] : memref<4x128xi32, #tpu.memory_space<vmem>> -> memref<1x128xi32, #tpu.memory_space<vmem>>
      %dma_wait3A_587 = tpu.memref_squeeze %dma_wait3A_586 : memref<1x128xi32, #tpu.memory_space<vmem>> -> memref<128xi32, #tpu.memory_space<vmem>>
      %dma_wait3A_588 = arith.constant 0 : i32
      %dma_wait3A_589 = arith.constant 0 : i32
      %dma_wait3A_590 = tpu.memref_slice %arg3[%dma_wait3A_588, %dma_wait3A_589] : memref<1000000x64xf32, #tpu.memory_space<hbm>> -> memref<1000000x64xf32, #tpu.memory_space<hbm>>
      %dma_wait3A_591 = tpu.memref_slice %arg12[%dma_wait3A_584] : memref<4x!tpu.dma_semaphore, #tpu.memory_space<semaphore_mem>> -> memref<1x!tpu.dma_semaphore, #tpu.memory_space<semaphore_mem>>
      %dma_wait3A_592 = tpu.memref_squeeze %dma_wait3A_591 : memref<1x!tpu.dma_semaphore, #tpu.memory_space<semaphore_mem>> -> memref<!tpu.dma_semaphore, #tpu.memory_space<semaphore_mem>>
      tpu.wait_indirect_dma semaphore(%dma_wait3A_592 : memref<!tpu.dma_semaphore, #tpu.memory_space<semaphore_mem>>) src(%dma_wait3A_590 : memref<1000000x64xf32, #tpu.memory_space<hbm>>) dst(%arg7 : memref<128x64xf32, #tpu.memory_space<vmem>>)
      %convert_element_type3A_593 = arith.extui %le3A_582 : i1 to i32
      %cond3A_594 = arith.constant 0 : i32
      %cond3A_595 = arith.cmpi ne, %convert_element_type3A_593, %cond3A_594 : i32
      scf.if %cond3A_595 {
        %add3A_840 = arith.constant 4 : i32
        %add3A_841 = arith.addi %add3A_580, %add3A_840 : i32
        %jit3A_842 = arith.constant 32 : i32
        %div3A_843 = arith.divsi %add3A_841, %jit3A_842 : i32
        %sign3A_844 = arith.constant 0 : i32
        %sign3A_845 = arith.cmpi sgt, %add3A_841, %sign3A_844 : i32
        %sign3A_846 = arith.extui %sign3A_845 : i1 to i32
        %sign3A_847 = arith.constant 0 : i32
        %sign3A_848 = arith.cmpi slt, %add3A_841, %sign3A_847 : i32
        %sign3A_849 = arith.extui %sign3A_848 : i1 to i32
        %sign3A_850 = arith.subi %sign3A_846, %sign3A_849 : i32
        %sign3A_851 = arith.constant 0 : i32
        %sign3A_852 = arith.cmpi sgt, %jit3A_842, %sign3A_851 : i32
        %sign3A_853 = arith.extui %sign3A_852 : i1 to i32
        %sign3A_854 = arith.constant 0 : i32
        %sign3A_855 = arith.cmpi slt, %jit3A_842, %sign3A_854 : i32
        %sign3A_856 = arith.extui %sign3A_855 : i1 to i32
        %sign3A_857 = arith.subi %sign3A_853, %sign3A_856 : i32
        %ne3A_858 = arith.cmpi ne, %sign3A_850, %sign3A_857 : i32
        %rem3A_859 = arith.remsi %add3A_841, %jit3A_842 : i32
        %ne3A_860 = arith.constant 0 : i32
        %ne3A_861 = arith.cmpi ne, %rem3A_859, %ne3A_860 : i32
        %and3A_862 = arith.andi %ne3A_858, %ne3A_861 : i1
        %sub3A_863 = arith.constant 1 : i32
        %sub3A_864 = arith.subi %div3A_843, %sub3A_863 : i32
        %select_n3A_865 = arith.select %and3A_862, %sub3A_864, %div3A_843 : i32
        %mul3A_866 = arith.constant 4096 : i32
        %mul3A_867 = arith.muli %select_n3A_865, %mul3A_866 : i32
        %jit3A_868 = arith.constant 32 : i32
        %eq3A_869 = arith.constant 0 : i32
        %eq3A_870 = arith.cmpi eq, %jit3A_868, %eq3A_869 : i32
        %jit3A_871 = arith.constant 1 : i32
        %select_n3A_872 = arith.select %eq3A_870, %jit3A_871, %jit3A_868 : i32
        %rem3A_873 = arith.remsi %add3A_841, %select_n3A_872 : i32
        %ne3A_874 = arith.constant 0 : i32
        %ne3A_875 = arith.cmpi ne, %rem3A_873, %ne3A_874 : i32
        %lt3A_876 = arith.constant 0 : i32
        %lt3A_877 = arith.cmpi slt, %rem3A_873, %lt3A_876 : i32
        %lt3A_878 = arith.constant 0 : i32
        %lt3A_879 = arith.cmpi slt, %select_n3A_872, %lt3A_878 : i32
        %ne3A_880 = arith.xori %lt3A_877, %lt3A_879 : i1
        %and3A_881 = arith.andi %ne3A_880, %ne3A_875 : i1
        %add3A_882 = arith.addi %rem3A_873, %select_n3A_872 : i32
        %select_n3A_883 = arith.select %and3A_881, %add3A_882, %rem3A_873 : i32
        %mul3A_884 = arith.constant 128 : i32
        %mul3A_885 = arith.muli %select_n3A_883, %mul3A_884 : i32
        %add3A_886 = arith.addi %mul3A_867, %mul3A_885 : i32
        %dma_start3A_887 = arith.constant 1 : i32
        %dma_start3A_888 = arith.constant 1 : i32
        %dma_start3A_889 = arith.constant 0 : i32
        %dma_start3A_890 = tpu.memref_slice %arg5[%dma_start3A_887, %dma_start3A_889] : memref<4x128xi32, #tpu.memory_space<vmem>> -> memref<1x128xi32, #tpu.memory_space<vmem>>
        %dma_start3A_891 = tpu.memref_squeeze %dma_start3A_890 : memref<1x128xi32, #tpu.memory_space<vmem>> -> memref<128xi32, #tpu.memory_space<vmem>>
        %dma_start3A_892 = tpu.memref_slice %arg2[%add3A_886] : memref<819200xi32, #tpu.memory_space<hbm>> -> memref<128xi32, #tpu.memory_space<hbm>>
        %dma_start3A_893 = tpu.memref_slice %arg11[%dma_start3A_888] : memref<4x!tpu.dma_semaphore, #tpu.memory_space<semaphore_mem>> -> memref<1x!tpu.dma_semaphore, #tpu.memory_space<semaphore_mem>>
        %dma_start3A_894 = tpu.memref_squeeze %dma_start3A_893 : memref<1x!tpu.dma_semaphore, #tpu.memory_space<semaphore_mem>> -> memref<!tpu.dma_semaphore, #tpu.memory_space<semaphore_mem>>
        %dma_start3A_895 = arith.constant 0 : i32
        %dma_start3A_896 = tpu.memref_slice %arg5[%dma_start3A_887, %dma_start3A_895] : memref<4x128xi32, #tpu.memory_space<vmem>> -> memref<1x128xi32, #tpu.memory_space<vmem>>
        %dma_start3A_897 = tpu.memref_squeeze %dma_start3A_896 : memref<1x128xi32, #tpu.memory_space<vmem>> -> memref<128xi32, #tpu.memory_space<vmem>>
        %dma_start3A_898 = tpu.memref_slice %arg2[%add3A_886] : memref<819200xi32, #tpu.memory_space<hbm>> -> memref<128xi32, #tpu.memory_space<hbm>>
        tpu.enqueue_dma source(%dma_start3A_898 : memref<128xi32, #tpu.memory_space<hbm>>) target(%dma_start3A_897 : memref<128xi32, #tpu.memory_space<vmem>>) target_semaphore(%dma_start3A_894 : memref<!tpu.dma_semaphore, #tpu.memory_space<semaphore_mem>>)
      } else {
      }
      %ge3A_596 = arith.constant 1 : i32
      %ge3A_597 = arith.cmpi sge, %scan3A_491, %ge3A_596 : i32
      %convert_element_type3A_598 = arith.extui %ge3A_597 : i1 to i32
      %cond3A_599 = arith.constant 0 : i32
      %cond3A_600 = arith.cmpi ne, %convert_element_type3A_598, %cond3A_599 : i32
      scf.if %cond3A_600 {
        %sub3A_840 = arith.constant 4 : i32
        %sub3A_841 = arith.subi %add3A_580, %sub3A_840 : i32
        %jit3A_842 = arith.constant 32 : i32
        %div3A_843 = arith.divsi %sub3A_841, %jit3A_842 : i32
        %sign3A_844 = arith.constant 0 : i32
        %sign3A_845 = arith.cmpi sgt, %sub3A_841, %sign3A_844 : i32
        %sign3A_846 = arith.extui %sign3A_845 : i1 to i32
        %sign3A_847 = arith.constant 0 : i32
        %sign3A_848 = arith.cmpi slt, %sub3A_841, %sign3A_847 : i32
        %sign3A_849 = arith.extui %sign3A_848 : i1 to i32
        %sign3A_850 = arith.subi %sign3A_846, %sign3A_849 : i32
        %sign3A_851 = arith.constant 0 : i32
        %sign3A_852 = arith.cmpi sgt, %jit3A_842, %sign3A_851 : i32
        %sign3A_853 = arith.extui %sign3A_852 : i1 to i32
        %sign3A_854 = arith.constant 0 : i32
        %sign3A_855 = arith.cmpi slt, %jit3A_842, %sign3A_854 : i32
        %sign3A_856 = arith.extui %sign3A_855 : i1 to i32
        %sign3A_857 = arith.subi %sign3A_853, %sign3A_856 : i32
        %ne3A_858 = arith.cmpi ne, %sign3A_850, %sign3A_857 : i32
        %rem3A_859 = arith.remsi %sub3A_841, %jit3A_842 : i32
        %ne3A_860 = arith.constant 0 : i32
        %ne3A_861 = arith.cmpi ne, %rem3A_859, %ne3A_860 : i32
        %and3A_862 = arith.andi %ne3A_858, %ne3A_861 : i1
        %sub3A_863 = arith.constant 1 : i32
        %sub3A_864 = arith.subi %div3A_843, %sub3A_863 : i32
        %select_n3A_865 = arith.select %and3A_862, %sub3A_864, %div3A_843 : i32
        %jit3A_866 = arith.constant 32 : i32
        %eq3A_867 = arith.constant 0 : i32
        %eq3A_868 = arith.cmpi eq, %jit3A_866, %eq3A_867 : i32
        %jit3A_869 = arith.constant 1 : i32
        %select_n3A_870 = arith.select %eq3A_868, %jit3A_869, %jit3A_866 : i32
        %rem3A_871 = arith.remsi %sub3A_841, %select_n3A_870 : i32
        %ne3A_872 = arith.constant 0 : i32
        %ne3A_873 = arith.cmpi ne, %rem3A_871, %ne3A_872 : i32
        %lt3A_874 = arith.constant 0 : i32
        %lt3A_875 = arith.cmpi slt, %rem3A_871, %lt3A_874 : i32
        %lt3A_876 = arith.constant 0 : i32
        %lt3A_877 = arith.cmpi slt, %select_n3A_870, %lt3A_876 : i32
        %ne3A_878 = arith.xori %lt3A_875, %lt3A_877 : i1
        %and3A_879 = arith.andi %ne3A_878, %ne3A_873 : i1
        %add3A_880 = arith.addi %rem3A_871, %select_n3A_870 : i32
        %select_n3A_881 = arith.select %and3A_879, %add3A_880, %rem3A_871 : i32
        %mul3A_882 = arith.constant 128 : i32
        %mul3A_883 = arith.muli %select_n3A_881, %mul3A_882 : i32
        %dma_wait3A_884 = arith.constant 1 : i32
        %dma_wait3A_885 = arith.constant 1 : i32
        %dma_wait3A_886 = arith.constant 0 : i32
        %dma_wait3A_887 = arith.constant 0 : i32
        %dma_wait3A_888 = tpu.memref_slice %arg10[%dma_wait3A_884, %dma_wait3A_886, %dma_wait3A_887] : memref<4x64x128xf32, #tpu.memory_space<vmem>> -> memref<1x64x128xf32, #tpu.memory_space<vmem>>
        %dma_wait3A_889 = tpu.memref_squeeze %dma_wait3A_888 : memref<1x64x128xf32, #tpu.memory_space<vmem>> -> memref<64x128xf32, #tpu.memory_space<vmem>>
        %dma_wait3A_890 = arith.constant 0 : i32
        %dma_wait3A_891 = tpu.memref_slice %arg4[%select_n3A_865, %dma_wait3A_890, %mul3A_883] : memref<200x64x4096xf32, #tpu.memory_space<hbm>> -> memref<1x64x128xf32, #tpu.memory_space<hbm>>
        %dma_wait3A_892 = tpu.memref_squeeze %dma_wait3A_891 : memref<1x64x128xf32, #tpu.memory_space<hbm>> -> memref<64x128xf32, #tpu.memory_space<hbm>>
        %dma_wait3A_893 = tpu.memref_slice %arg13[%dma_wait3A_885] : memref<4x!tpu.dma_semaphore, #tpu.memory_space<semaphore_mem>> -> memref<1x!tpu.dma_semaphore, #tpu.memory_space<semaphore_mem>>
        %dma_wait3A_894 = tpu.memref_squeeze %dma_wait3A_893 : memref<1x!tpu.dma_semaphore, #tpu.memory_space<semaphore_mem>> -> memref<!tpu.dma_semaphore, #tpu.memory_space<semaphore_mem>>
        %dma_wait3A_895 = arith.constant 0 : i32
        %dma_wait3A_896 = tpu.memref_slice %arg4[%select_n3A_865, %dma_wait3A_895, %mul3A_883] : memref<200x64x4096xf32, #tpu.memory_space<hbm>> -> memref<1x64x128xf32, #tpu.memory_space<hbm>>
        %dma_wait3A_897 = tpu.memref_squeeze %dma_wait3A_896 : memref<1x64x128xf32, #tpu.memory_space<hbm>> -> memref<64x128xf32, #tpu.memory_space<hbm>>
        %dma_wait3A_898 = arith.constant 0 : i32
        %dma_wait3A_899 = arith.constant 0 : i32
        %dma_wait3A_900 = tpu.memref_slice %arg10[%dma_wait3A_884, %dma_wait3A_898, %dma_wait3A_899] : memref<4x64x128xf32, #tpu.memory_space<vmem>> -> memref<1x64x128xf32, #tpu.memory_space<vmem>>
        %dma_wait3A_901 = tpu.memref_squeeze %dma_wait3A_900 : memref<1x64x128xf32, #tpu.memory_space<vmem>> -> memref<64x128xf32, #tpu.memory_space<vmem>>
        tpu.wait_dma2 semaphore(%dma_wait3A_894 : memref<!tpu.dma_semaphore, #tpu.memory_space<semaphore_mem>>) src(%dma_wait3A_901 : memref<64x128xf32, #tpu.memory_space<vmem>>) dst(%dma_wait3A_897 : memref<64x128xf32, #tpu.memory_space<hbm>>)
      } else {
      }
      %convert_element_type3A_601 = arith.extui %le3A_582 : i1 to i32
      %cond3A_602 = arith.constant 0 : i32
      %cond3A_603 = arith.cmpi ne, %convert_element_type3A_601, %cond3A_602 : i32
      scf.if %cond3A_603 {
        %add3A_840 = arith.constant 4 : i32
        %add3A_841 = arith.addi %add3A_580, %add3A_840 : i32
        %jit3A_842 = arith.constant 32 : i32
        %div3A_843 = arith.divsi %add3A_841, %jit3A_842 : i32
        %sign3A_844 = arith.constant 0 : i32
        %sign3A_845 = arith.cmpi sgt, %add3A_841, %sign3A_844 : i32
        %sign3A_846 = arith.extui %sign3A_845 : i1 to i32
        %sign3A_847 = arith.constant 0 : i32
        %sign3A_848 = arith.cmpi slt, %add3A_841, %sign3A_847 : i32
        %sign3A_849 = arith.extui %sign3A_848 : i1 to i32
        %sign3A_850 = arith.subi %sign3A_846, %sign3A_849 : i32
        %sign3A_851 = arith.constant 0 : i32
        %sign3A_852 = arith.cmpi sgt, %jit3A_842, %sign3A_851 : i32
        %sign3A_853 = arith.extui %sign3A_852 : i1 to i32
        %sign3A_854 = arith.constant 0 : i32
        %sign3A_855 = arith.cmpi slt, %jit3A_842, %sign3A_854 : i32
        %sign3A_856 = arith.extui %sign3A_855 : i1 to i32
        %sign3A_857 = arith.subi %sign3A_853, %sign3A_856 : i32
        %ne3A_858 = arith.cmpi ne, %sign3A_850, %sign3A_857 : i32
        %rem3A_859 = arith.remsi %add3A_841, %jit3A_842 : i32
        %ne3A_860 = arith.constant 0 : i32
        %ne3A_861 = arith.cmpi ne, %rem3A_859, %ne3A_860 : i32
        %and3A_862 = arith.andi %ne3A_858, %ne3A_861 : i1
        %sub3A_863 = arith.constant 1 : i32
        %sub3A_864 = arith.subi %div3A_843, %sub3A_863 : i32
        %select_n3A_865 = arith.select %and3A_862, %sub3A_864, %div3A_843 : i32
        %mul3A_866 = arith.constant 4096 : i32
        %mul3A_867 = arith.muli %select_n3A_865, %mul3A_866 : i32
        %jit3A_868 = arith.constant 32 : i32
        %eq3A_869 = arith.constant 0 : i32
        %eq3A_870 = arith.cmpi eq, %jit3A_868, %eq3A_869 : i32
        %jit3A_871 = arith.constant 1 : i32
        %select_n3A_872 = arith.select %eq3A_870, %jit3A_871, %jit3A_868 : i32
        %rem3A_873 = arith.remsi %add3A_841, %select_n3A_872 : i32
        %ne3A_874 = arith.constant 0 : i32
        %ne3A_875 = arith.cmpi ne, %rem3A_873, %ne3A_874 : i32
        %lt3A_876 = arith.constant 0 : i32
        %lt3A_877 = arith.cmpi slt, %rem3A_873, %lt3A_876 : i32
        %lt3A_878 = arith.constant 0 : i32
        %lt3A_879 = arith.cmpi slt, %select_n3A_872, %lt3A_878 : i32
        %ne3A_880 = arith.xori %lt3A_877, %lt3A_879 : i1
        %and3A_881 = arith.andi %ne3A_880, %ne3A_875 : i1
        %add3A_882 = arith.addi %rem3A_873, %select_n3A_872 : i32
        %select_n3A_883 = arith.select %and3A_881, %add3A_882, %rem3A_873 : i32
        %mul3A_884 = arith.constant 128 : i32
        %mul3A_885 = arith.muli %select_n3A_883, %mul3A_884 : i32
        %add3A_886 = arith.addi %mul3A_867, %mul3A_885 : i32
        %dma_wait3A_887 = arith.constant 1 : i32
        %dma_wait3A_888 = arith.constant 1 : i32
        %dma_wait3A_889 = arith.constant 0 : i32
        %dma_wait3A_890 = tpu.memref_slice %arg5[%dma_wait3A_887, %dma_wait3A_889] : memref<4x128xi32, #tpu.memory_space<vmem>> -> memref<1x128xi32, #tpu.memory_space<vmem>>
        %dma_wait3A_891 = tpu.memref_squeeze %dma_wait3A_890 : memref<1x128xi32, #tpu.memory_space<vmem>> -> memref<128xi32, #tpu.memory_space<vmem>>
        %dma_wait3A_892 = tpu.memref_slice %arg2[%add3A_886] : memref<819200xi32, #tpu.memory_space<hbm>> -> memref<128xi32, #tpu.memory_space<hbm>>
        %dma_wait3A_893 = tpu.memref_slice %arg11[%dma_wait3A_888] : memref<4x!tpu.dma_semaphore, #tpu.memory_space<semaphore_mem>> -> memref<1x!tpu.dma_semaphore, #tpu.memory_space<semaphore_mem>>
        %dma_wait3A_894 = tpu.memref_squeeze %dma_wait3A_893 : memref<1x!tpu.dma_semaphore, #tpu.memory_space<semaphore_mem>> -> memref<!tpu.dma_semaphore, #tpu.memory_space<semaphore_mem>>
        %dma_wait3A_895 = arith.constant 0 : i32
        %dma_wait3A_896 = tpu.memref_slice %arg5[%dma_wait3A_887, %dma_wait3A_895] : memref<4x128xi32, #tpu.memory_space<vmem>> -> memref<1x128xi32, #tpu.memory_space<vmem>>
        %dma_wait3A_897 = tpu.memref_squeeze %dma_wait3A_896 : memref<1x128xi32, #tpu.memory_space<vmem>> -> memref<128xi32, #tpu.memory_space<vmem>>
        %dma_wait3A_898 = tpu.memref_slice %arg2[%add3A_886] : memref<819200xi32, #tpu.memory_space<hbm>> -> memref<128xi32, #tpu.memory_space<hbm>>
        tpu.wait_dma2 semaphore(%dma_wait3A_894 : memref<!tpu.dma_semaphore, #tpu.memory_space<semaphore_mem>>) src(%dma_wait3A_898 : memref<128xi32, #tpu.memory_space<hbm>>) dst(%dma_wait3A_897 : memref<128xi32, #tpu.memory_space<vmem>>)
        %dma_start3A_899 = arith.constant 1 : i32
        %dma_start3A_900 = arith.constant 1 : i32
        %dma_start3A_901 = arith.constant 0 : i32
        %dma_start3A_902 = tpu.memref_slice %arg5[%dma_start3A_899, %dma_start3A_901] : memref<4x128xi32, #tpu.memory_space<vmem>> -> memref<1x128xi32, #tpu.memory_space<vmem>>
        %dma_start3A_903 = tpu.memref_squeeze %dma_start3A_902 : memref<1x128xi32, #tpu.memory_space<vmem>> -> memref<128xi32, #tpu.memory_space<vmem>>
        %dma_start3A_904 = arith.constant 0 : i32
        %dma_start3A_905 = arith.constant 0 : i32
        %dma_start3A_906 = tpu.memref_slice %arg3[%dma_start3A_904, %dma_start3A_905] : memref<1000000x64xf32, #tpu.memory_space<hbm>> -> memref<1000000x64xf32, #tpu.memory_space<hbm>>
        %dma_start3A_907 = tpu.memref_slice %arg12[%dma_start3A_900] : memref<4x!tpu.dma_semaphore, #tpu.memory_space<semaphore_mem>> -> memref<1x!tpu.dma_semaphore, #tpu.memory_space<semaphore_mem>>
        %dma_start3A_908 = tpu.memref_squeeze %dma_start3A_907 : memref<1x!tpu.dma_semaphore, #tpu.memory_space<semaphore_mem>> -> memref<!tpu.dma_semaphore, #tpu.memory_space<semaphore_mem>>
        tpu.enqueue_indirect_dma source(%dma_start3A_906 : memref<1000000x64xf32, #tpu.memory_space<hbm>>) target(%arg7 : memref<128x64xf32, #tpu.memory_space<vmem>>) offsets(%dma_start3A_903 : memref<128xi32, #tpu.memory_space<vmem>>) semaphore(%dma_start3A_908 : memref<!tpu.dma_semaphore, #tpu.memory_space<semaphore_mem>>)
      } else {
      }
      %jit3A_604 = arith.constant 32 : i32
      %div3A_605 = arith.divsi %add3A_580, %jit3A_604 : i32
      %sign3A_606 = arith.constant 0 : i32
      %sign3A_607 = arith.cmpi sgt, %add3A_580, %sign3A_606 : i32
      %sign3A_608 = arith.extui %sign3A_607 : i1 to i32
      %sign3A_609 = arith.constant 0 : i32
      %sign3A_610 = arith.cmpi slt, %add3A_580, %sign3A_609 : i32
      %sign3A_611 = arith.extui %sign3A_610 : i1 to i32
      %sign3A_612 = arith.subi %sign3A_608, %sign3A_611 : i32
      %sign3A_613 = arith.constant 0 : i32
      %sign3A_614 = arith.cmpi sgt, %jit3A_604, %sign3A_613 : i32
      %sign3A_615 = arith.extui %sign3A_614 : i1 to i32
      %sign3A_616 = arith.constant 0 : i32
      %sign3A_617 = arith.cmpi slt, %jit3A_604, %sign3A_616 : i32
      %sign3A_618 = arith.extui %sign3A_617 : i1 to i32
      %sign3A_619 = arith.subi %sign3A_615, %sign3A_618 : i32
      %ne3A_620 = arith.cmpi ne, %sign3A_612, %sign3A_619 : i32
      %rem3A_621 = arith.remsi %add3A_580, %jit3A_604 : i32
      %ne3A_622 = arith.constant 0 : i32
      %ne3A_623 = arith.cmpi ne, %rem3A_621, %ne3A_622 : i32
      %and3A_624 = arith.andi %ne3A_620, %ne3A_623 : i1
      %sub3A_625 = arith.constant 1 : i32
      %sub3A_626 = arith.subi %div3A_605, %sub3A_625 : i32
      %select_n3A_627 = arith.select %and3A_624, %sub3A_626, %div3A_605 : i32
      %jit3A_628 = arith.constant 32 : i32
      %eq3A_629 = arith.constant 0 : i32
      %eq3A_630 = arith.cmpi eq, %jit3A_628, %eq3A_629 : i32
      %jit3A_631 = arith.constant 1 : i32
      %select_n3A_632 = arith.select %eq3A_630, %jit3A_631, %jit3A_628 : i32
      %rem3A_633 = arith.remsi %add3A_580, %select_n3A_632 : i32
      %ne3A_634 = arith.constant 0 : i32
      %ne3A_635 = arith.cmpi ne, %rem3A_633, %ne3A_634 : i32
      %lt3A_636 = arith.constant 0 : i32
      %lt3A_637 = arith.cmpi slt, %rem3A_633, %lt3A_636 : i32
      %lt3A_638 = arith.constant 0 : i32
      %lt3A_639 = arith.cmpi slt, %select_n3A_632, %lt3A_638 : i32
      %ne3A_640 = arith.xori %lt3A_637, %lt3A_639 : i1
      %and3A_641 = arith.andi %ne3A_640, %ne3A_635 : i1
      %add3A_642 = arith.addi %rem3A_633, %select_n3A_632 : i32
      %select_n3A_643 = arith.select %and3A_641, %add3A_642, %rem3A_633 : i32
      %mul3A_644 = arith.constant 128 : i32
      %mul3A_645 = arith.muli %select_n3A_643, %mul3A_644 : i32
      %dma_start3A_646 = arith.constant 1 : i32
      %dma_start3A_647 = arith.constant 1 : i32
      %dma_start3A_648 = arith.constant 0 : i32
      %dma_start3A_649 = arith.constant 0 : i32
      %dma_start3A_650 = tpu.memref_slice %arg10[%dma_start3A_646, %dma_start3A_648, %dma_start3A_649] : memref<4x64x128xf32, #tpu.memory_space<vmem>> -> memref<1x64x128xf32, #tpu.memory_space<vmem>>
      %dma_start3A_651 = tpu.memref_squeeze %dma_start3A_650 : memref<1x64x128xf32, #tpu.memory_space<vmem>> -> memref<64x128xf32, #tpu.memory_space<vmem>>
      %dma_start3A_652 = arith.constant 0 : i32
      %dma_start3A_653 = tpu.memref_slice %arg4[%select_n3A_627, %dma_start3A_652, %mul3A_645] : memref<200x64x4096xf32, #tpu.memory_space<hbm>> -> memref<1x64x128xf32, #tpu.memory_space<hbm>>
      %dma_start3A_654 = tpu.memref_squeeze %dma_start3A_653 : memref<1x64x128xf32, #tpu.memory_space<hbm>> -> memref<64x128xf32, #tpu.memory_space<hbm>>
      %dma_start3A_655 = tpu.memref_slice %arg13[%dma_start3A_647] : memref<4x!tpu.dma_semaphore, #tpu.memory_space<semaphore_mem>> -> memref<1x!tpu.dma_semaphore, #tpu.memory_space<semaphore_mem>>
      %dma_start3A_656 = tpu.memref_squeeze %dma_start3A_655 : memref<1x!tpu.dma_semaphore, #tpu.memory_space<semaphore_mem>> -> memref<!tpu.dma_semaphore, #tpu.memory_space<semaphore_mem>>
      %dma_start3A_657 = arith.constant 0 : i32
      %dma_start3A_658 = tpu.memref_slice %arg4[%select_n3A_627, %dma_start3A_657, %mul3A_645] : memref<200x64x4096xf32, #tpu.memory_space<hbm>> -> memref<1x64x128xf32, #tpu.memory_space<hbm>>
      %dma_start3A_659 = tpu.memref_squeeze %dma_start3A_658 : memref<1x64x128xf32, #tpu.memory_space<hbm>> -> memref<64x128xf32, #tpu.memory_space<hbm>>
      %dma_start3A_660 = arith.constant 0 : i32
      %dma_start3A_661 = arith.constant 0 : i32
      %dma_start3A_662 = tpu.memref_slice %arg10[%dma_start3A_646, %dma_start3A_660, %dma_start3A_661] : memref<4x64x128xf32, #tpu.memory_space<vmem>> -> memref<1x64x128xf32, #tpu.memory_space<vmem>>
      %dma_start3A_663 = tpu.memref_squeeze %dma_start3A_662 : memref<1x64x128xf32, #tpu.memory_space<vmem>> -> memref<64x128xf32, #tpu.memory_space<vmem>>
      tpu.enqueue_dma source(%dma_start3A_663 : memref<64x128xf32, #tpu.memory_space<vmem>>) target(%dma_start3A_659 : memref<64x128xf32, #tpu.memory_space<hbm>>) target_semaphore(%dma_start3A_656 : memref<!tpu.dma_semaphore, #tpu.memory_space<semaphore_mem>>)
      %mul3A_664 = arith.constant 4 : i32
      %mul3A_665 = arith.muli %scan3A_491, %mul3A_664 : i32
      %add3A_666 = arith.addi %mul3A_2, %mul3A_665 : i32
      %add3A_667 = arith.constant 2 : i32
      %add3A_668 = arith.addi %add3A_666, %add3A_667 : i32
      %le3A_669 = arith.constant 48 : i32
      %le3A_670 = arith.cmpi sle, %scan3A_491, %le3A_669 : i32
      %dma_wait3A_671 = arith.constant 2 : i32
      %dma_wait3A_672 = arith.constant 2 : i32
      %dma_wait3A_673 = arith.constant 0 : i32
      %dma_wait3A_674 = tpu.memref_slice %arg5[%dma_wait3A_671, %dma_wait3A_673] : memref<4x128xi32, #tpu.memory_space<vmem>> -> memref<1x128xi32, #tpu.memory_space<vmem>>
      %dma_wait3A_675 = tpu.memref_squeeze %dma_wait3A_674 : memref<1x128xi32, #tpu.memory_space<vmem>> -> memref<128xi32, #tpu.memory_space<vmem>>
      %dma_wait3A_676 = arith.constant 0 : i32
      %dma_wait3A_677 = arith.constant 0 : i32
      %dma_wait3A_678 = tpu.memref_slice %arg3[%dma_wait3A_676, %dma_wait3A_677] : memref<1000000x64xf32, #tpu.memory_space<hbm>> -> memref<1000000x64xf32, #tpu.memory_space<hbm>>
      %dma_wait3A_679 = tpu.memref_slice %arg12[%dma_wait3A_672] : memref<4x!tpu.dma_semaphore, #tpu.memory_space<semaphore_mem>> -> memref<1x!tpu.dma_semaphore, #tpu.memory_space<semaphore_mem>>
      %dma_wait3A_680 = tpu.memref_squeeze %dma_wait3A_679 : memref<1x!tpu.dma_semaphore, #tpu.memory_space<semaphore_mem>> -> memref<!tpu.dma_semaphore, #tpu.memory_space<semaphore_mem>>
      tpu.wait_indirect_dma semaphore(%dma_wait3A_680 : memref<!tpu.dma_semaphore, #tpu.memory_space<semaphore_mem>>) src(%dma_wait3A_678 : memref<1000000x64xf32, #tpu.memory_space<hbm>>) dst(%arg8 : memref<128x64xf32, #tpu.memory_space<vmem>>)
      %convert_element_type3A_681 = arith.extui %le3A_670 : i1 to i32
      %cond3A_682 = arith.constant 0 : i32
      %cond3A_683 = arith.cmpi ne, %convert_element_type3A_681, %cond3A_682 : i32
      scf.if %cond3A_683 {
        %add3A_840 = arith.constant 4 : i32
        %add3A_841 = arith.addi %add3A_668, %add3A_840 : i32
        %jit3A_842 = arith.constant 32 : i32
        %div3A_843 = arith.divsi %add3A_841, %jit3A_842 : i32
        %sign3A_844 = arith.constant 0 : i32
        %sign3A_845 = arith.cmpi sgt, %add3A_841, %sign3A_844 : i32
        %sign3A_846 = arith.extui %sign3A_845 : i1 to i32
        %sign3A_847 = arith.constant 0 : i32
        %sign3A_848 = arith.cmpi slt, %add3A_841, %sign3A_847 : i32
        %sign3A_849 = arith.extui %sign3A_848 : i1 to i32
        %sign3A_850 = arith.subi %sign3A_846, %sign3A_849 : i32
        %sign3A_851 = arith.constant 0 : i32
        %sign3A_852 = arith.cmpi sgt, %jit3A_842, %sign3A_851 : i32
        %sign3A_853 = arith.extui %sign3A_852 : i1 to i32
        %sign3A_854 = arith.constant 0 : i32
        %sign3A_855 = arith.cmpi slt, %jit3A_842, %sign3A_854 : i32
        %sign3A_856 = arith.extui %sign3A_855 : i1 to i32
        %sign3A_857 = arith.subi %sign3A_853, %sign3A_856 : i32
        %ne3A_858 = arith.cmpi ne, %sign3A_850, %sign3A_857 : i32
        %rem3A_859 = arith.remsi %add3A_841, %jit3A_842 : i32
        %ne3A_860 = arith.constant 0 : i32
        %ne3A_861 = arith.cmpi ne, %rem3A_859, %ne3A_860 : i32
        %and3A_862 = arith.andi %ne3A_858, %ne3A_861 : i1
        %sub3A_863 = arith.constant 1 : i32
        %sub3A_864 = arith.subi %div3A_843, %sub3A_863 : i32
        %select_n3A_865 = arith.select %and3A_862, %sub3A_864, %div3A_843 : i32
        %mul3A_866 = arith.constant 4096 : i32
        %mul3A_867 = arith.muli %select_n3A_865, %mul3A_866 : i32
        %jit3A_868 = arith.constant 32 : i32
        %eq3A_869 = arith.constant 0 : i32
        %eq3A_870 = arith.cmpi eq, %jit3A_868, %eq3A_869 : i32
        %jit3A_871 = arith.constant 1 : i32
        %select_n3A_872 = arith.select %eq3A_870, %jit3A_871, %jit3A_868 : i32
        %rem3A_873 = arith.remsi %add3A_841, %select_n3A_872 : i32
        %ne3A_874 = arith.constant 0 : i32
        %ne3A_875 = arith.cmpi ne, %rem3A_873, %ne3A_874 : i32
        %lt3A_876 = arith.constant 0 : i32
        %lt3A_877 = arith.cmpi slt, %rem3A_873, %lt3A_876 : i32
        %lt3A_878 = arith.constant 0 : i32
        %lt3A_879 = arith.cmpi slt, %select_n3A_872, %lt3A_878 : i32
        %ne3A_880 = arith.xori %lt3A_877, %lt3A_879 : i1
        %and3A_881 = arith.andi %ne3A_880, %ne3A_875 : i1
        %add3A_882 = arith.addi %rem3A_873, %select_n3A_872 : i32
        %select_n3A_883 = arith.select %and3A_881, %add3A_882, %rem3A_873 : i32
        %mul3A_884 = arith.constant 128 : i32
        %mul3A_885 = arith.muli %select_n3A_883, %mul3A_884 : i32
        %add3A_886 = arith.addi %mul3A_867, %mul3A_885 : i32
        %dma_start3A_887 = arith.constant 2 : i32
        %dma_start3A_888 = arith.constant 2 : i32
        %dma_start3A_889 = arith.constant 0 : i32
        %dma_start3A_890 = tpu.memref_slice %arg5[%dma_start3A_887, %dma_start3A_889] : memref<4x128xi32, #tpu.memory_space<vmem>> -> memref<1x128xi32, #tpu.memory_space<vmem>>
        %dma_start3A_891 = tpu.memref_squeeze %dma_start3A_890 : memref<1x128xi32, #tpu.memory_space<vmem>> -> memref<128xi32, #tpu.memory_space<vmem>>
        %dma_start3A_892 = tpu.memref_slice %arg2[%add3A_886] : memref<819200xi32, #tpu.memory_space<hbm>> -> memref<128xi32, #tpu.memory_space<hbm>>
        %dma_start3A_893 = tpu.memref_slice %arg11[%dma_start3A_888] : memref<4x!tpu.dma_semaphore, #tpu.memory_space<semaphore_mem>> -> memref<1x!tpu.dma_semaphore, #tpu.memory_space<semaphore_mem>>
        %dma_start3A_894 = tpu.memref_squeeze %dma_start3A_893 : memref<1x!tpu.dma_semaphore, #tpu.memory_space<semaphore_mem>> -> memref<!tpu.dma_semaphore, #tpu.memory_space<semaphore_mem>>
        %dma_start3A_895 = arith.constant 0 : i32
        %dma_start3A_896 = tpu.memref_slice %arg5[%dma_start3A_887, %dma_start3A_895] : memref<4x128xi32, #tpu.memory_space<vmem>> -> memref<1x128xi32, #tpu.memory_space<vmem>>
        %dma_start3A_897 = tpu.memref_squeeze %dma_start3A_896 : memref<1x128xi32, #tpu.memory_space<vmem>> -> memref<128xi32, #tpu.memory_space<vmem>>
        %dma_start3A_898 = tpu.memref_slice %arg2[%add3A_886] : memref<819200xi32, #tpu.memory_space<hbm>> -> memref<128xi32, #tpu.memory_space<hbm>>
        tpu.enqueue_dma source(%dma_start3A_898 : memref<128xi32, #tpu.memory_space<hbm>>) target(%dma_start3A_897 : memref<128xi32, #tpu.memory_space<vmem>>) target_semaphore(%dma_start3A_894 : memref<!tpu.dma_semaphore, #tpu.memory_space<semaphore_mem>>)
      } else {
      }
      %ge3A_684 = arith.constant 1 : i32
      %ge3A_685 = arith.cmpi sge, %scan3A_491, %ge3A_684 : i32
      %convert_element_type3A_686 = arith.extui %ge3A_685 : i1 to i32
      %cond3A_687 = arith.constant 0 : i32
      %cond3A_688 = arith.cmpi ne, %convert_element_type3A_686, %cond3A_687 : i32
      scf.if %cond3A_688 {
        %sub3A_840 = arith.constant 4 : i32
        %sub3A_841 = arith.subi %add3A_668, %sub3A_840 : i32
        %jit3A_842 = arith.constant 32 : i32
        %div3A_843 = arith.divsi %sub3A_841, %jit3A_842 : i32
        %sign3A_844 = arith.constant 0 : i32
        %sign3A_845 = arith.cmpi sgt, %sub3A_841, %sign3A_844 : i32
        %sign3A_846 = arith.extui %sign3A_845 : i1 to i32
        %sign3A_847 = arith.constant 0 : i32
        %sign3A_848 = arith.cmpi slt, %sub3A_841, %sign3A_847 : i32
        %sign3A_849 = arith.extui %sign3A_848 : i1 to i32
        %sign3A_850 = arith.subi %sign3A_846, %sign3A_849 : i32
        %sign3A_851 = arith.constant 0 : i32
        %sign3A_852 = arith.cmpi sgt, %jit3A_842, %sign3A_851 : i32
        %sign3A_853 = arith.extui %sign3A_852 : i1 to i32
        %sign3A_854 = arith.constant 0 : i32
        %sign3A_855 = arith.cmpi slt, %jit3A_842, %sign3A_854 : i32
        %sign3A_856 = arith.extui %sign3A_855 : i1 to i32
        %sign3A_857 = arith.subi %sign3A_853, %sign3A_856 : i32
        %ne3A_858 = arith.cmpi ne, %sign3A_850, %sign3A_857 : i32
        %rem3A_859 = arith.remsi %sub3A_841, %jit3A_842 : i32
        %ne3A_860 = arith.constant 0 : i32
        %ne3A_861 = arith.cmpi ne, %rem3A_859, %ne3A_860 : i32
        %and3A_862 = arith.andi %ne3A_858, %ne3A_861 : i1
        %sub3A_863 = arith.constant 1 : i32
        %sub3A_864 = arith.subi %div3A_843, %sub3A_863 : i32
        %select_n3A_865 = arith.select %and3A_862, %sub3A_864, %div3A_843 : i32
        %jit3A_866 = arith.constant 32 : i32
        %eq3A_867 = arith.constant 0 : i32
        %eq3A_868 = arith.cmpi eq, %jit3A_866, %eq3A_867 : i32
        %jit3A_869 = arith.constant 1 : i32
        %select_n3A_870 = arith.select %eq3A_868, %jit3A_869, %jit3A_866 : i32
        %rem3A_871 = arith.remsi %sub3A_841, %select_n3A_870 : i32
        %ne3A_872 = arith.constant 0 : i32
        %ne3A_873 = arith.cmpi ne, %rem3A_871, %ne3A_872 : i32
        %lt3A_874 = arith.constant 0 : i32
        %lt3A_875 = arith.cmpi slt, %rem3A_871, %lt3A_874 : i32
        %lt3A_876 = arith.constant 0 : i32
        %lt3A_877 = arith.cmpi slt, %select_n3A_870, %lt3A_876 : i32
        %ne3A_878 = arith.xori %lt3A_875, %lt3A_877 : i1
        %and3A_879 = arith.andi %ne3A_878, %ne3A_873 : i1
        %add3A_880 = arith.addi %rem3A_871, %select_n3A_870 : i32
        %select_n3A_881 = arith.select %and3A_879, %add3A_880, %rem3A_871 : i32
        %mul3A_882 = arith.constant 128 : i32
        %mul3A_883 = arith.muli %select_n3A_881, %mul3A_882 : i32
        %dma_wait3A_884 = arith.constant 2 : i32
        %dma_wait3A_885 = arith.constant 2 : i32
        %dma_wait3A_886 = arith.constant 0 : i32
        %dma_wait3A_887 = arith.constant 0 : i32
        %dma_wait3A_888 = tpu.memref_slice %arg10[%dma_wait3A_884, %dma_wait3A_886, %dma_wait3A_887] : memref<4x64x128xf32, #tpu.memory_space<vmem>> -> memref<1x64x128xf32, #tpu.memory_space<vmem>>
        %dma_wait3A_889 = tpu.memref_squeeze %dma_wait3A_888 : memref<1x64x128xf32, #tpu.memory_space<vmem>> -> memref<64x128xf32, #tpu.memory_space<vmem>>
        %dma_wait3A_890 = arith.constant 0 : i32
        %dma_wait3A_891 = tpu.memref_slice %arg4[%select_n3A_865, %dma_wait3A_890, %mul3A_883] : memref<200x64x4096xf32, #tpu.memory_space<hbm>> -> memref<1x64x128xf32, #tpu.memory_space<hbm>>
        %dma_wait3A_892 = tpu.memref_squeeze %dma_wait3A_891 : memref<1x64x128xf32, #tpu.memory_space<hbm>> -> memref<64x128xf32, #tpu.memory_space<hbm>>
        %dma_wait3A_893 = tpu.memref_slice %arg13[%dma_wait3A_885] : memref<4x!tpu.dma_semaphore, #tpu.memory_space<semaphore_mem>> -> memref<1x!tpu.dma_semaphore, #tpu.memory_space<semaphore_mem>>
        %dma_wait3A_894 = tpu.memref_squeeze %dma_wait3A_893 : memref<1x!tpu.dma_semaphore, #tpu.memory_space<semaphore_mem>> -> memref<!tpu.dma_semaphore, #tpu.memory_space<semaphore_mem>>
        %dma_wait3A_895 = arith.constant 0 : i32
        %dma_wait3A_896 = tpu.memref_slice %arg4[%select_n3A_865, %dma_wait3A_895, %mul3A_883] : memref<200x64x4096xf32, #tpu.memory_space<hbm>> -> memref<1x64x128xf32, #tpu.memory_space<hbm>>
        %dma_wait3A_897 = tpu.memref_squeeze %dma_wait3A_896 : memref<1x64x128xf32, #tpu.memory_space<hbm>> -> memref<64x128xf32, #tpu.memory_space<hbm>>
        %dma_wait3A_898 = arith.constant 0 : i32
        %dma_wait3A_899 = arith.constant 0 : i32
        %dma_wait3A_900 = tpu.memref_slice %arg10[%dma_wait3A_884, %dma_wait3A_898, %dma_wait3A_899] : memref<4x64x128xf32, #tpu.memory_space<vmem>> -> memref<1x64x128xf32, #tpu.memory_space<vmem>>
        %dma_wait3A_901 = tpu.memref_squeeze %dma_wait3A_900 : memref<1x64x128xf32, #tpu.memory_space<vmem>> -> memref<64x128xf32, #tpu.memory_space<vmem>>
        tpu.wait_dma2 semaphore(%dma_wait3A_894 : memref<!tpu.dma_semaphore, #tpu.memory_space<semaphore_mem>>) src(%dma_wait3A_901 : memref<64x128xf32, #tpu.memory_space<vmem>>) dst(%dma_wait3A_897 : memref<64x128xf32, #tpu.memory_space<hbm>>)
      } else {
      }
      %convert_element_type3A_689 = arith.extui %le3A_670 : i1 to i32
      %cond3A_690 = arith.constant 0 : i32
      %cond3A_691 = arith.cmpi ne, %convert_element_type3A_689, %cond3A_690 : i32
      scf.if %cond3A_691 {
        %add3A_840 = arith.constant 4 : i32
        %add3A_841 = arith.addi %add3A_668, %add3A_840 : i32
        %jit3A_842 = arith.constant 32 : i32
        %div3A_843 = arith.divsi %add3A_841, %jit3A_842 : i32
        %sign3A_844 = arith.constant 0 : i32
        %sign3A_845 = arith.cmpi sgt, %add3A_841, %sign3A_844 : i32
        %sign3A_846 = arith.extui %sign3A_845 : i1 to i32
        %sign3A_847 = arith.constant 0 : i32
        %sign3A_848 = arith.cmpi slt, %add3A_841, %sign3A_847 : i32
        %sign3A_849 = arith.extui %sign3A_848 : i1 to i32
        %sign3A_850 = arith.subi %sign3A_846, %sign3A_849 : i32
        %sign3A_851 = arith.constant 0 : i32
        %sign3A_852 = arith.cmpi sgt, %jit3A_842, %sign3A_851 : i32
        %sign3A_853 = arith.extui %sign3A_852 : i1 to i32
        %sign3A_854 = arith.constant 0 : i32
        %sign3A_855 = arith.cmpi slt, %jit3A_842, %sign3A_854 : i32
        %sign3A_856 = arith.extui %sign3A_855 : i1 to i32
        %sign3A_857 = arith.subi %sign3A_853, %sign3A_856 : i32
        %ne3A_858 = arith.cmpi ne, %sign3A_850, %sign3A_857 : i32
        %rem3A_859 = arith.remsi %add3A_841, %jit3A_842 : i32
        %ne3A_860 = arith.constant 0 : i32
        %ne3A_861 = arith.cmpi ne, %rem3A_859, %ne3A_860 : i32
        %and3A_862 = arith.andi %ne3A_858, %ne3A_861 : i1
        %sub3A_863 = arith.constant 1 : i32
        %sub3A_864 = arith.subi %div3A_843, %sub3A_863 : i32
        %select_n3A_865 = arith.select %and3A_862, %sub3A_864, %div3A_843 : i32
        %mul3A_866 = arith.constant 4096 : i32
        %mul3A_867 = arith.muli %select_n3A_865, %mul3A_866 : i32
        %jit3A_868 = arith.constant 32 : i32
        %eq3A_869 = arith.constant 0 : i32
        %eq3A_870 = arith.cmpi eq, %jit3A_868, %eq3A_869 : i32
        %jit3A_871 = arith.constant 1 : i32
        %select_n3A_872 = arith.select %eq3A_870, %jit3A_871, %jit3A_868 : i32
        %rem3A_873 = arith.remsi %add3A_841, %select_n3A_872 : i32
        %ne3A_874 = arith.constant 0 : i32
        %ne3A_875 = arith.cmpi ne, %rem3A_873, %ne3A_874 : i32
        %lt3A_876 = arith.constant 0 : i32
        %lt3A_877 = arith.cmpi slt, %rem3A_873, %lt3A_876 : i32
        %lt3A_878 = arith.constant 0 : i32
        %lt3A_879 = arith.cmpi slt, %select_n3A_872, %lt3A_878 : i32
        %ne3A_880 = arith.xori %lt3A_877, %lt3A_879 : i1
        %and3A_881 = arith.andi %ne3A_880, %ne3A_875 : i1
        %add3A_882 = arith.addi %rem3A_873, %select_n3A_872 : i32
        %select_n3A_883 = arith.select %and3A_881, %add3A_882, %rem3A_873 : i32
        %mul3A_884 = arith.constant 128 : i32
        %mul3A_885 = arith.muli %select_n3A_883, %mul3A_884 : i32
        %add3A_886 = arith.addi %mul3A_867, %mul3A_885 : i32
        %dma_wait3A_887 = arith.constant 2 : i32
        %dma_wait3A_888 = arith.constant 2 : i32
        %dma_wait3A_889 = arith.constant 0 : i32
        %dma_wait3A_890 = tpu.memref_slice %arg5[%dma_wait3A_887, %dma_wait3A_889] : memref<4x128xi32, #tpu.memory_space<vmem>> -> memref<1x128xi32, #tpu.memory_space<vmem>>
        %dma_wait3A_891 = tpu.memref_squeeze %dma_wait3A_890 : memref<1x128xi32, #tpu.memory_space<vmem>> -> memref<128xi32, #tpu.memory_space<vmem>>
        %dma_wait3A_892 = tpu.memref_slice %arg2[%add3A_886] : memref<819200xi32, #tpu.memory_space<hbm>> -> memref<128xi32, #tpu.memory_space<hbm>>
        %dma_wait3A_893 = tpu.memref_slice %arg11[%dma_wait3A_888] : memref<4x!tpu.dma_semaphore, #tpu.memory_space<semaphore_mem>> -> memref<1x!tpu.dma_semaphore, #tpu.memory_space<semaphore_mem>>
        %dma_wait3A_894 = tpu.memref_squeeze %dma_wait3A_893 : memref<1x!tpu.dma_semaphore, #tpu.memory_space<semaphore_mem>> -> memref<!tpu.dma_semaphore, #tpu.memory_space<semaphore_mem>>
        %dma_wait3A_895 = arith.constant 0 : i32
        %dma_wait3A_896 = tpu.memref_slice %arg5[%dma_wait3A_887, %dma_wait3A_895] : memref<4x128xi32, #tpu.memory_space<vmem>> -> memref<1x128xi32, #tpu.memory_space<vmem>>
        %dma_wait3A_897 = tpu.memref_squeeze %dma_wait3A_896 : memref<1x128xi32, #tpu.memory_space<vmem>> -> memref<128xi32, #tpu.memory_space<vmem>>
        %dma_wait3A_898 = tpu.memref_slice %arg2[%add3A_886] : memref<819200xi32, #tpu.memory_space<hbm>> -> memref<128xi32, #tpu.memory_space<hbm>>
        tpu.wait_dma2 semaphore(%dma_wait3A_894 : memref<!tpu.dma_semaphore, #tpu.memory_space<semaphore_mem>>) src(%dma_wait3A_898 : memref<128xi32, #tpu.memory_space<hbm>>) dst(%dma_wait3A_897 : memref<128xi32, #tpu.memory_space<vmem>>)
        %dma_start3A_899 = arith.constant 2 : i32
        %dma_start3A_900 = arith.constant 2 : i32
        %dma_start3A_901 = arith.constant 0 : i32
        %dma_start3A_902 = tpu.memref_slice %arg5[%dma_start3A_899, %dma_start3A_901] : memref<4x128xi32, #tpu.memory_space<vmem>> -> memref<1x128xi32, #tpu.memory_space<vmem>>
        %dma_start3A_903 = tpu.memref_squeeze %dma_start3A_902 : memref<1x128xi32, #tpu.memory_space<vmem>> -> memref<128xi32, #tpu.memory_space<vmem>>
        %dma_start3A_904 = arith.constant 0 : i32
        %dma_start3A_905 = arith.constant 0 : i32
        %dma_start3A_906 = tpu.memref_slice %arg3[%dma_start3A_904, %dma_start3A_905] : memref<1000000x64xf32, #tpu.memory_space<hbm>> -> memref<1000000x64xf32, #tpu.memory_space<hbm>>
        %dma_start3A_907 = tpu.memref_slice %arg12[%dma_start3A_900] : memref<4x!tpu.dma_semaphore, #tpu.memory_space<semaphore_mem>> -> memref<1x!tpu.dma_semaphore, #tpu.memory_space<semaphore_mem>>
        %dma_start3A_908 = tpu.memref_squeeze %dma_start3A_907 : memref<1x!tpu.dma_semaphore, #tpu.memory_space<semaphore_mem>> -> memref<!tpu.dma_semaphore, #tpu.memory_space<semaphore_mem>>
        tpu.enqueue_indirect_dma source(%dma_start3A_906 : memref<1000000x64xf32, #tpu.memory_space<hbm>>) target(%arg8 : memref<128x64xf32, #tpu.memory_space<vmem>>) offsets(%dma_start3A_903 : memref<128xi32, #tpu.memory_space<vmem>>) semaphore(%dma_start3A_908 : memref<!tpu.dma_semaphore, #tpu.memory_space<semaphore_mem>>)
      } else {
      }
      %jit3A_692 = arith.constant 32 : i32
      %div3A_693 = arith.divsi %add3A_668, %jit3A_692 : i32
      %sign3A_694 = arith.constant 0 : i32
      %sign3A_695 = arith.cmpi sgt, %add3A_668, %sign3A_694 : i32
      %sign3A_696 = arith.extui %sign3A_695 : i1 to i32
      %sign3A_697 = arith.constant 0 : i32
      %sign3A_698 = arith.cmpi slt, %add3A_668, %sign3A_697 : i32
      %sign3A_699 = arith.extui %sign3A_698 : i1 to i32
      %sign3A_700 = arith.subi %sign3A_696, %sign3A_699 : i32
      %sign3A_701 = arith.constant 0 : i32
      %sign3A_702 = arith.cmpi sgt, %jit3A_692, %sign3A_701 : i32
      %sign3A_703 = arith.extui %sign3A_702 : i1 to i32
      %sign3A_704 = arith.constant 0 : i32
      %sign3A_705 = arith.cmpi slt, %jit3A_692, %sign3A_704 : i32
      %sign3A_706 = arith.extui %sign3A_705 : i1 to i32
      %sign3A_707 = arith.subi %sign3A_703, %sign3A_706 : i32
      %ne3A_708 = arith.cmpi ne, %sign3A_700, %sign3A_707 : i32
      %rem3A_709 = arith.remsi %add3A_668, %jit3A_692 : i32
      %ne3A_710 = arith.constant 0 : i32
      %ne3A_711 = arith.cmpi ne, %rem3A_709, %ne3A_710 : i32
      %and3A_712 = arith.andi %ne3A_708, %ne3A_711 : i1
      %sub3A_713 = arith.constant 1 : i32
      %sub3A_714 = arith.subi %div3A_693, %sub3A_713 : i32
      %select_n3A_715 = arith.select %and3A_712, %sub3A_714, %div3A_693 : i32
      %jit3A_716 = arith.constant 32 : i32
      %eq3A_717 = arith.constant 0 : i32
      %eq3A_718 = arith.cmpi eq, %jit3A_716, %eq3A_717 : i32
      %jit3A_719 = arith.constant 1 : i32
      %select_n3A_720 = arith.select %eq3A_718, %jit3A_719, %jit3A_716 : i32
      %rem3A_721 = arith.remsi %add3A_668, %select_n3A_720 : i32
      %ne3A_722 = arith.constant 0 : i32
      %ne3A_723 = arith.cmpi ne, %rem3A_721, %ne3A_722 : i32
      %lt3A_724 = arith.constant 0 : i32
      %lt3A_725 = arith.cmpi slt, %rem3A_721, %lt3A_724 : i32
      %lt3A_726 = arith.constant 0 : i32
      %lt3A_727 = arith.cmpi slt, %select_n3A_720, %lt3A_726 : i32
      %ne3A_728 = arith.xori %lt3A_725, %lt3A_727 : i1
      %and3A_729 = arith.andi %ne3A_728, %ne3A_723 : i1
      %add3A_730 = arith.addi %rem3A_721, %select_n3A_720 : i32
      %select_n3A_731 = arith.select %and3A_729, %add3A_730, %rem3A_721 : i32
      %mul3A_732 = arith.constant 128 : i32
      %mul3A_733 = arith.muli %select_n3A_731, %mul3A_732 : i32
      %dma_start3A_734 = arith.constant 2 : i32
      %dma_start3A_735 = arith.constant 2 : i32
      %dma_start3A_736 = arith.constant 0 : i32
      %dma_start3A_737 = arith.constant 0 : i32
      %dma_start3A_738 = tpu.memref_slice %arg10[%dma_start3A_734, %dma_start3A_736, %dma_start3A_737] : memref<4x64x128xf32, #tpu.memory_space<vmem>> -> memref<1x64x128xf32, #tpu.memory_space<vmem>>
      %dma_start3A_739 = tpu.memref_squeeze %dma_start3A_738 : memref<1x64x128xf32, #tpu.memory_space<vmem>> -> memref<64x128xf32, #tpu.memory_space<vmem>>
      %dma_start3A_740 = arith.constant 0 : i32
      %dma_start3A_741 = tpu.memref_slice %arg4[%select_n3A_715, %dma_start3A_740, %mul3A_733] : memref<200x64x4096xf32, #tpu.memory_space<hbm>> -> memref<1x64x128xf32, #tpu.memory_space<hbm>>
      %dma_start3A_742 = tpu.memref_squeeze %dma_start3A_741 : memref<1x64x128xf32, #tpu.memory_space<hbm>> -> memref<64x128xf32, #tpu.memory_space<hbm>>
      %dma_start3A_743 = tpu.memref_slice %arg13[%dma_start3A_735] : memref<4x!tpu.dma_semaphore, #tpu.memory_space<semaphore_mem>> -> memref<1x!tpu.dma_semaphore, #tpu.memory_space<semaphore_mem>>
      %dma_start3A_744 = tpu.memref_squeeze %dma_start3A_743 : memref<1x!tpu.dma_semaphore, #tpu.memory_space<semaphore_mem>> -> memref<!tpu.dma_semaphore, #tpu.memory_space<semaphore_mem>>
      %dma_start3A_745 = arith.constant 0 : i32
      %dma_start3A_746 = tpu.memref_slice %arg4[%select_n3A_715, %dma_start3A_745, %mul3A_733] : memref<200x64x4096xf32, #tpu.memory_space<hbm>> -> memref<1x64x128xf32, #tpu.memory_space<hbm>>
      %dma_start3A_747 = tpu.memref_squeeze %dma_start3A_746 : memref<1x64x128xf32, #tpu.memory_space<hbm>> -> memref<64x128xf32, #tpu.memory_space<hbm>>
      %dma_start3A_748 = arith.constant 0 : i32
      %dma_start3A_749 = arith.constant 0 : i32
      %dma_start3A_750 = tpu.memref_slice %arg10[%dma_start3A_734, %dma_start3A_748, %dma_start3A_749] : memref<4x64x128xf32, #tpu.memory_space<vmem>> -> memref<1x64x128xf32, #tpu.memory_space<vmem>>
      %dma_start3A_751 = tpu.memref_squeeze %dma_start3A_750 : memref<1x64x128xf32, #tpu.memory_space<vmem>> -> memref<64x128xf32, #tpu.memory_space<vmem>>
      tpu.enqueue_dma source(%dma_start3A_751 : memref<64x128xf32, #tpu.memory_space<vmem>>) target(%dma_start3A_747 : memref<64x128xf32, #tpu.memory_space<hbm>>) target_semaphore(%dma_start3A_744 : memref<!tpu.dma_semaphore, #tpu.memory_space<semaphore_mem>>)
      %mul3A_752 = arith.constant 4 : i32
      %mul3A_753 = arith.muli %scan3A_491, %mul3A_752 : i32
      %add3A_754 = arith.addi %mul3A_2, %mul3A_753 : i32
      %add3A_755 = arith.constant 3 : i32
      %add3A_756 = arith.addi %add3A_754, %add3A_755 : i32
      %le3A_757 = arith.constant 48 : i32
      %le3A_758 = arith.cmpi sle, %scan3A_491, %le3A_757 : i32
      %dma_wait3A_759 = arith.constant 3 : i32
      %dma_wait3A_760 = arith.constant 3 : i32
      %dma_wait3A_761 = arith.constant 0 : i32
      %dma_wait3A_762 = tpu.memref_slice %arg5[%dma_wait3A_759, %dma_wait3A_761] : memref<4x128xi32, #tpu.memory_space<vmem>> -> memref<1x128xi32, #tpu.memory_space<vmem>>
      %dma_wait3A_763 = tpu.memref_squeeze %dma_wait3A_762 : memref<1x128xi32, #tpu.memory_space<vmem>> -> memref<128xi32, #tpu.memory_space<vmem>>
      %dma_wait3A_764 = arith.constant 0 : i32
      %dma_wait3A_765 = arith.constant 0 : i32
      %dma_wait3A_766 = tpu.memref_slice %arg3[%dma_wait3A_764, %dma_wait3A_765] : memref<1000000x64xf32, #tpu.memory_space<hbm>> -> memref<1000000x64xf32, #tpu.memory_space<hbm>>
      %dma_wait3A_767 = tpu.memref_slice %arg12[%dma_wait3A_760] : memref<4x!tpu.dma_semaphore, #tpu.memory_space<semaphore_mem>> -> memref<1x!tpu.dma_semaphore, #tpu.memory_space<semaphore_mem>>
      %dma_wait3A_768 = tpu.memref_squeeze %dma_wait3A_767 : memref<1x!tpu.dma_semaphore, #tpu.memory_space<semaphore_mem>> -> memref<!tpu.dma_semaphore, #tpu.memory_space<semaphore_mem>>
      tpu.wait_indirect_dma semaphore(%dma_wait3A_768 : memref<!tpu.dma_semaphore, #tpu.memory_space<semaphore_mem>>) src(%dma_wait3A_766 : memref<1000000x64xf32, #tpu.memory_space<hbm>>) dst(%arg9 : memref<128x64xf32, #tpu.memory_space<vmem>>)
      %convert_element_type3A_769 = arith.extui %le3A_758 : i1 to i32
      %cond3A_770 = arith.constant 0 : i32
      %cond3A_771 = arith.cmpi ne, %convert_element_type3A_769, %cond3A_770 : i32
      scf.if %cond3A_771 {
        %add3A_840 = arith.constant 4 : i32
        %add3A_841 = arith.addi %add3A_756, %add3A_840 : i32
        %jit3A_842 = arith.constant 32 : i32
        %div3A_843 = arith.divsi %add3A_841, %jit3A_842 : i32
        %sign3A_844 = arith.constant 0 : i32
        %sign3A_845 = arith.cmpi sgt, %add3A_841, %sign3A_844 : i32
        %sign3A_846 = arith.extui %sign3A_845 : i1 to i32
        %sign3A_847 = arith.constant 0 : i32
        %sign3A_848 = arith.cmpi slt, %add3A_841, %sign3A_847 : i32
        %sign3A_849 = arith.extui %sign3A_848 : i1 to i32
        %sign3A_850 = arith.subi %sign3A_846, %sign3A_849 : i32
        %sign3A_851 = arith.constant 0 : i32
        %sign3A_852 = arith.cmpi sgt, %jit3A_842, %sign3A_851 : i32
        %sign3A_853 = arith.extui %sign3A_852 : i1 to i32
        %sign3A_854 = arith.constant 0 : i32
        %sign3A_855 = arith.cmpi slt, %jit3A_842, %sign3A_854 : i32
        %sign3A_856 = arith.extui %sign3A_855 : i1 to i32
        %sign3A_857 = arith.subi %sign3A_853, %sign3A_856 : i32
        %ne3A_858 = arith.cmpi ne, %sign3A_850, %sign3A_857 : i32
        %rem3A_859 = arith.remsi %add3A_841, %jit3A_842 : i32
        %ne3A_860 = arith.constant 0 : i32
        %ne3A_861 = arith.cmpi ne, %rem3A_859, %ne3A_860 : i32
        %and3A_862 = arith.andi %ne3A_858, %ne3A_861 : i1
        %sub3A_863 = arith.constant 1 : i32
        %sub3A_864 = arith.subi %div3A_843, %sub3A_863 : i32
        %select_n3A_865 = arith.select %and3A_862, %sub3A_864, %div3A_843 : i32
        %mul3A_866 = arith.constant 4096 : i32
        %mul3A_867 = arith.muli %select_n3A_865, %mul3A_866 : i32
        %jit3A_868 = arith.constant 32 : i32
        %eq3A_869 = arith.constant 0 : i32
        %eq3A_870 = arith.cmpi eq, %jit3A_868, %eq3A_869 : i32
        %jit3A_871 = arith.constant 1 : i32
        %select_n3A_872 = arith.select %eq3A_870, %jit3A_871, %jit3A_868 : i32
        %rem3A_873 = arith.remsi %add3A_841, %select_n3A_872 : i32
        %ne3A_874 = arith.constant 0 : i32
        %ne3A_875 = arith.cmpi ne, %rem3A_873, %ne3A_874 : i32
        %lt3A_876 = arith.constant 0 : i32
        %lt3A_877 = arith.cmpi slt, %rem3A_873, %lt3A_876 : i32
        %lt3A_878 = arith.constant 0 : i32
        %lt3A_879 = arith.cmpi slt, %select_n3A_872, %lt3A_878 : i32
        %ne3A_880 = arith.xori %lt3A_877, %lt3A_879 : i1
        %and3A_881 = arith.andi %ne3A_880, %ne3A_875 : i1
        %add3A_882 = arith.addi %rem3A_873, %select_n3A_872 : i32
        %select_n3A_883 = arith.select %and3A_881, %add3A_882, %rem3A_873 : i32
        %mul3A_884 = arith.constant 128 : i32
        %mul3A_885 = arith.muli %select_n3A_883, %mul3A_884 : i32
        %add3A_886 = arith.addi %mul3A_867, %mul3A_885 : i32
        %dma_start3A_887 = arith.constant 3 : i32
        %dma_start3A_888 = arith.constant 3 : i32
        %dma_start3A_889 = arith.constant 0 : i32
        %dma_start3A_890 = tpu.memref_slice %arg5[%dma_start3A_887, %dma_start3A_889] : memref<4x128xi32, #tpu.memory_space<vmem>> -> memref<1x128xi32, #tpu.memory_space<vmem>>
        %dma_start3A_891 = tpu.memref_squeeze %dma_start3A_890 : memref<1x128xi32, #tpu.memory_space<vmem>> -> memref<128xi32, #tpu.memory_space<vmem>>
        %dma_start3A_892 = tpu.memref_slice %arg2[%add3A_886] : memref<819200xi32, #tpu.memory_space<hbm>> -> memref<128xi32, #tpu.memory_space<hbm>>
        %dma_start3A_893 = tpu.memref_slice %arg11[%dma_start3A_888] : memref<4x!tpu.dma_semaphore, #tpu.memory_space<semaphore_mem>> -> memref<1x!tpu.dma_semaphore, #tpu.memory_space<semaphore_mem>>
        %dma_start3A_894 = tpu.memref_squeeze %dma_start3A_893 : memref<1x!tpu.dma_semaphore, #tpu.memory_space<semaphore_mem>> -> memref<!tpu.dma_semaphore, #tpu.memory_space<semaphore_mem>>
        %dma_start3A_895 = arith.constant 0 : i32
        %dma_start3A_896 = tpu.memref_slice %arg5[%dma_start3A_887, %dma_start3A_895] : memref<4x128xi32, #tpu.memory_space<vmem>> -> memref<1x128xi32, #tpu.memory_space<vmem>>
        %dma_start3A_897 = tpu.memref_squeeze %dma_start3A_896 : memref<1x128xi32, #tpu.memory_space<vmem>> -> memref<128xi32, #tpu.memory_space<vmem>>
        %dma_start3A_898 = tpu.memref_slice %arg2[%add3A_886] : memref<819200xi32, #tpu.memory_space<hbm>> -> memref<128xi32, #tpu.memory_space<hbm>>
        tpu.enqueue_dma source(%dma_start3A_898 : memref<128xi32, #tpu.memory_space<hbm>>) target(%dma_start3A_897 : memref<128xi32, #tpu.memory_space<vmem>>) target_semaphore(%dma_start3A_894 : memref<!tpu.dma_semaphore, #tpu.memory_space<semaphore_mem>>)
      } else {
      }
      %ge3A_772 = arith.constant 1 : i32
      %ge3A_773 = arith.cmpi sge, %scan3A_491, %ge3A_772 : i32
      %convert_element_type3A_774 = arith.extui %ge3A_773 : i1 to i32
      %cond3A_775 = arith.constant 0 : i32
      %cond3A_776 = arith.cmpi ne, %convert_element_type3A_774, %cond3A_775 : i32
      scf.if %cond3A_776 {
        %sub3A_840 = arith.constant 4 : i32
        %sub3A_841 = arith.subi %add3A_756, %sub3A_840 : i32
        %jit3A_842 = arith.constant 32 : i32
        %div3A_843 = arith.divsi %sub3A_841, %jit3A_842 : i32
        %sign3A_844 = arith.constant 0 : i32
        %sign3A_845 = arith.cmpi sgt, %sub3A_841, %sign3A_844 : i32
        %sign3A_846 = arith.extui %sign3A_845 : i1 to i32
        %sign3A_847 = arith.constant 0 : i32
        %sign3A_848 = arith.cmpi slt, %sub3A_841, %sign3A_847 : i32
        %sign3A_849 = arith.extui %sign3A_848 : i1 to i32
        %sign3A_850 = arith.subi %sign3A_846, %sign3A_849 : i32
        %sign3A_851 = arith.constant 0 : i32
        %sign3A_852 = arith.cmpi sgt, %jit3A_842, %sign3A_851 : i32
        %sign3A_853 = arith.extui %sign3A_852 : i1 to i32
        %sign3A_854 = arith.constant 0 : i32
        %sign3A_855 = arith.cmpi slt, %jit3A_842, %sign3A_854 : i32
        %sign3A_856 = arith.extui %sign3A_855 : i1 to i32
        %sign3A_857 = arith.subi %sign3A_853, %sign3A_856 : i32
        %ne3A_858 = arith.cmpi ne, %sign3A_850, %sign3A_857 : i32
        %rem3A_859 = arith.remsi %sub3A_841, %jit3A_842 : i32
        %ne3A_860 = arith.constant 0 : i32
        %ne3A_861 = arith.cmpi ne, %rem3A_859, %ne3A_860 : i32
        %and3A_862 = arith.andi %ne3A_858, %ne3A_861 : i1
        %sub3A_863 = arith.constant 1 : i32
        %sub3A_864 = arith.subi %div3A_843, %sub3A_863 : i32
        %select_n3A_865 = arith.select %and3A_862, %sub3A_864, %div3A_843 : i32
        %jit3A_866 = arith.constant 32 : i32
        %eq3A_867 = arith.constant 0 : i32
        %eq3A_868 = arith.cmpi eq, %jit3A_866, %eq3A_867 : i32
        %jit3A_869 = arith.constant 1 : i32
        %select_n3A_870 = arith.select %eq3A_868, %jit3A_869, %jit3A_866 : i32
        %rem3A_871 = arith.remsi %sub3A_841, %select_n3A_870 : i32
        %ne3A_872 = arith.constant 0 : i32
        %ne3A_873 = arith.cmpi ne, %rem3A_871, %ne3A_872 : i32
        %lt3A_874 = arith.constant 0 : i32
        %lt3A_875 = arith.cmpi slt, %rem3A_871, %lt3A_874 : i32
        %lt3A_876 = arith.constant 0 : i32
        %lt3A_877 = arith.cmpi slt, %select_n3A_870, %lt3A_876 : i32
        %ne3A_878 = arith.xori %lt3A_875, %lt3A_877 : i1
        %and3A_879 = arith.andi %ne3A_878, %ne3A_873 : i1
        %add3A_880 = arith.addi %rem3A_871, %select_n3A_870 : i32
        %select_n3A_881 = arith.select %and3A_879, %add3A_880, %rem3A_871 : i32
        %mul3A_882 = arith.constant 128 : i32
        %mul3A_883 = arith.muli %select_n3A_881, %mul3A_882 : i32
        %dma_wait3A_884 = arith.constant 3 : i32
        %dma_wait3A_885 = arith.constant 3 : i32
        %dma_wait3A_886 = arith.constant 0 : i32
        %dma_wait3A_887 = arith.constant 0 : i32
        %dma_wait3A_888 = tpu.memref_slice %arg10[%dma_wait3A_884, %dma_wait3A_886, %dma_wait3A_887] : memref<4x64x128xf32, #tpu.memory_space<vmem>> -> memref<1x64x128xf32, #tpu.memory_space<vmem>>
        %dma_wait3A_889 = tpu.memref_squeeze %dma_wait3A_888 : memref<1x64x128xf32, #tpu.memory_space<vmem>> -> memref<64x128xf32, #tpu.memory_space<vmem>>
        %dma_wait3A_890 = arith.constant 0 : i32
        %dma_wait3A_891 = tpu.memref_slice %arg4[%select_n3A_865, %dma_wait3A_890, %mul3A_883] : memref<200x64x4096xf32, #tpu.memory_space<hbm>> -> memref<1x64x128xf32, #tpu.memory_space<hbm>>
        %dma_wait3A_892 = tpu.memref_squeeze %dma_wait3A_891 : memref<1x64x128xf32, #tpu.memory_space<hbm>> -> memref<64x128xf32, #tpu.memory_space<hbm>>
        %dma_wait3A_893 = tpu.memref_slice %arg13[%dma_wait3A_885] : memref<4x!tpu.dma_semaphore, #tpu.memory_space<semaphore_mem>> -> memref<1x!tpu.dma_semaphore, #tpu.memory_space<semaphore_mem>>
        %dma_wait3A_894 = tpu.memref_squeeze %dma_wait3A_893 : memref<1x!tpu.dma_semaphore, #tpu.memory_space<semaphore_mem>> -> memref<!tpu.dma_semaphore, #tpu.memory_space<semaphore_mem>>
        %dma_wait3A_895 = arith.constant 0 : i32
        %dma_wait3A_896 = tpu.memref_slice %arg4[%select_n3A_865, %dma_wait3A_895, %mul3A_883] : memref<200x64x4096xf32, #tpu.memory_space<hbm>> -> memref<1x64x128xf32, #tpu.memory_space<hbm>>
        %dma_wait3A_897 = tpu.memref_squeeze %dma_wait3A_896 : memref<1x64x128xf32, #tpu.memory_space<hbm>> -> memref<64x128xf32, #tpu.memory_space<hbm>>
        %dma_wait3A_898 = arith.constant 0 : i32
        %dma_wait3A_899 = arith.constant 0 : i32
        %dma_wait3A_900 = tpu.memref_slice %arg10[%dma_wait3A_884, %dma_wait3A_898, %dma_wait3A_899] : memref<4x64x128xf32, #tpu.memory_space<vmem>> -> memref<1x64x128xf32, #tpu.memory_space<vmem>>
        %dma_wait3A_901 = tpu.memref_squeeze %dma_wait3A_900 : memref<1x64x128xf32, #tpu.memory_space<vmem>> -> memref<64x128xf32, #tpu.memory_space<vmem>>
        tpu.wait_dma2 semaphore(%dma_wait3A_894 : memref<!tpu.dma_semaphore, #tpu.memory_space<semaphore_mem>>) src(%dma_wait3A_901 : memref<64x128xf32, #tpu.memory_space<vmem>>) dst(%dma_wait3A_897 : memref<64x128xf32, #tpu.memory_space<hbm>>)
      } else {
      }
      %convert_element_type3A_777 = arith.extui %le3A_758 : i1 to i32
      %cond3A_778 = arith.constant 0 : i32
      %cond3A_779 = arith.cmpi ne, %convert_element_type3A_777, %cond3A_778 : i32
      scf.if %cond3A_779 {
        %add3A_840 = arith.constant 4 : i32
        %add3A_841 = arith.addi %add3A_756, %add3A_840 : i32
        %jit3A_842 = arith.constant 32 : i32
        %div3A_843 = arith.divsi %add3A_841, %jit3A_842 : i32
        %sign3A_844 = arith.constant 0 : i32
        %sign3A_845 = arith.cmpi sgt, %add3A_841, %sign3A_844 : i32
        %sign3A_846 = arith.extui %sign3A_845 : i1 to i32
        %sign3A_847 = arith.constant 0 : i32
        %sign3A_848 = arith.cmpi slt, %add3A_841, %sign3A_847 : i32
        %sign3A_849 = arith.extui %sign3A_848 : i1 to i32
        %sign3A_850 = arith.subi %sign3A_846, %sign3A_849 : i32
        %sign3A_851 = arith.constant 0 : i32
        %sign3A_852 = arith.cmpi sgt, %jit3A_842, %sign3A_851 : i32
        %sign3A_853 = arith.extui %sign3A_852 : i1 to i32
        %sign3A_854 = arith.constant 0 : i32
        %sign3A_855 = arith.cmpi slt, %jit3A_842, %sign3A_854 : i32
        %sign3A_856 = arith.extui %sign3A_855 : i1 to i32
        %sign3A_857 = arith.subi %sign3A_853, %sign3A_856 : i32
        %ne3A_858 = arith.cmpi ne, %sign3A_850, %sign3A_857 : i32
        %rem3A_859 = arith.remsi %add3A_841, %jit3A_842 : i32
        %ne3A_860 = arith.constant 0 : i32
        %ne3A_861 = arith.cmpi ne, %rem3A_859, %ne3A_860 : i32
        %and3A_862 = arith.andi %ne3A_858, %ne3A_861 : i1
        %sub3A_863 = arith.constant 1 : i32
        %sub3A_864 = arith.subi %div3A_843, %sub3A_863 : i32
        %select_n3A_865 = arith.select %and3A_862, %sub3A_864, %div3A_843 : i32
        %mul3A_866 = arith.constant 4096 : i32
        %mul3A_867 = arith.muli %select_n3A_865, %mul3A_866 : i32
        %jit3A_868 = arith.constant 32 : i32
        %eq3A_869 = arith.constant 0 : i32
        %eq3A_870 = arith.cmpi eq, %jit3A_868, %eq3A_869 : i32
        %jit3A_871 = arith.constant 1 : i32
        %select_n3A_872 = arith.select %eq3A_870, %jit3A_871, %jit3A_868 : i32
        %rem3A_873 = arith.remsi %add3A_841, %select_n3A_872 : i32
        %ne3A_874 = arith.constant 0 : i32
        %ne3A_875 = arith.cmpi ne, %rem3A_873, %ne3A_874 : i32
        %lt3A_876 = arith.constant 0 : i32
        %lt3A_877 = arith.cmpi slt, %rem3A_873, %lt3A_876 : i32
        %lt3A_878 = arith.constant 0 : i32
        %lt3A_879 = arith.cmpi slt, %select_n3A_872, %lt3A_878 : i32
        %ne3A_880 = arith.xori %lt3A_877, %lt3A_879 : i1
        %and3A_881 = arith.andi %ne3A_880, %ne3A_875 : i1
        %add3A_882 = arith.addi %rem3A_873, %select_n3A_872 : i32
        %select_n3A_883 = arith.select %and3A_881, %add3A_882, %rem3A_873 : i32
        %mul3A_884 = arith.constant 128 : i32
        %mul3A_885 = arith.muli %select_n3A_883, %mul3A_884 : i32
        %add3A_886 = arith.addi %mul3A_867, %mul3A_885 : i32
        %dma_wait3A_887 = arith.constant 3 : i32
        %dma_wait3A_888 = arith.constant 3 : i32
        %dma_wait3A_889 = arith.constant 0 : i32
        %dma_wait3A_890 = tpu.memref_slice %arg5[%dma_wait3A_887, %dma_wait3A_889] : memref<4x128xi32, #tpu.memory_space<vmem>> -> memref<1x128xi32, #tpu.memory_space<vmem>>
        %dma_wait3A_891 = tpu.memref_squeeze %dma_wait3A_890 : memref<1x128xi32, #tpu.memory_space<vmem>> -> memref<128xi32, #tpu.memory_space<vmem>>
        %dma_wait3A_892 = tpu.memref_slice %arg2[%add3A_886] : memref<819200xi32, #tpu.memory_space<hbm>> -> memref<128xi32, #tpu.memory_space<hbm>>
        %dma_wait3A_893 = tpu.memref_slice %arg11[%dma_wait3A_888] : memref<4x!tpu.dma_semaphore, #tpu.memory_space<semaphore_mem>> -> memref<1x!tpu.dma_semaphore, #tpu.memory_space<semaphore_mem>>
        %dma_wait3A_894 = tpu.memref_squeeze %dma_wait3A_893 : memref<1x!tpu.dma_semaphore, #tpu.memory_space<semaphore_mem>> -> memref<!tpu.dma_semaphore, #tpu.memory_space<semaphore_mem>>
        %dma_wait3A_895 = arith.constant 0 : i32
        %dma_wait3A_896 = tpu.memref_slice %arg5[%dma_wait3A_887, %dma_wait3A_895] : memref<4x128xi32, #tpu.memory_space<vmem>> -> memref<1x128xi32, #tpu.memory_space<vmem>>
        %dma_wait3A_897 = tpu.memref_squeeze %dma_wait3A_896 : memref<1x128xi32, #tpu.memory_space<vmem>> -> memref<128xi32, #tpu.memory_space<vmem>>
        %dma_wait3A_898 = tpu.memref_slice %arg2[%add3A_886] : memref<819200xi32, #tpu.memory_space<hbm>> -> memref<128xi32, #tpu.memory_space<hbm>>
        tpu.wait_dma2 semaphore(%dma_wait3A_894 : memref<!tpu.dma_semaphore, #tpu.memory_space<semaphore_mem>>) src(%dma_wait3A_898 : memref<128xi32, #tpu.memory_space<hbm>>) dst(%dma_wait3A_897 : memref<128xi32, #tpu.memory_space<vmem>>)
        %dma_start3A_899 = arith.constant 3 : i32
        %dma_start3A_900 = arith.constant 3 : i32
        %dma_start3A_901 = arith.constant 0 : i32
        %dma_start3A_902 = tpu.memref_slice %arg5[%dma_start3A_899, %dma_start3A_901] : memref<4x128xi32, #tpu.memory_space<vmem>> -> memref<1x128xi32, #tpu.memory_space<vmem>>
        %dma_start3A_903 = tpu.memref_squeeze %dma_start3A_902 : memref<1x128xi32, #tpu.memory_space<vmem>> -> memref<128xi32, #tpu.memory_space<vmem>>
        %dma_start3A_904 = arith.constant 0 : i32
        %dma_start3A_905 = arith.constant 0 : i32
        %dma_start3A_906 = tpu.memref_slice %arg3[%dma_start3A_904, %dma_start3A_905] : memref<1000000x64xf32, #tpu.memory_space<hbm>> -> memref<1000000x64xf32, #tpu.memory_space<hbm>>
        %dma_start3A_907 = tpu.memref_slice %arg12[%dma_start3A_900] : memref<4x!tpu.dma_semaphore, #tpu.memory_space<semaphore_mem>> -> memref<1x!tpu.dma_semaphore, #tpu.memory_space<semaphore_mem>>
        %dma_start3A_908 = tpu.memref_squeeze %dma_start3A_907 : memref<1x!tpu.dma_semaphore, #tpu.memory_space<semaphore_mem>> -> memref<!tpu.dma_semaphore, #tpu.memory_space<semaphore_mem>>
        tpu.enqueue_indirect_dma source(%dma_start3A_906 : memref<1000000x64xf32, #tpu.memory_space<hbm>>) target(%arg9 : memref<128x64xf32, #tpu.memory_space<vmem>>) offsets(%dma_start3A_903 : memref<128xi32, #tpu.memory_space<vmem>>) semaphore(%dma_start3A_908 : memref<!tpu.dma_semaphore, #tpu.memory_space<semaphore_mem>>)
      } else {
      }
      %jit3A_780 = arith.constant 32 : i32
      %div3A_781 = arith.divsi %add3A_756, %jit3A_780 : i32
      %sign3A_782 = arith.constant 0 : i32
      %sign3A_783 = arith.cmpi sgt, %add3A_756, %sign3A_782 : i32
      %sign3A_784 = arith.extui %sign3A_783 : i1 to i32
      %sign3A_785 = arith.constant 0 : i32
      %sign3A_786 = arith.cmpi slt, %add3A_756, %sign3A_785 : i32
      %sign3A_787 = arith.extui %sign3A_786 : i1 to i32
      %sign3A_788 = arith.subi %sign3A_784, %sign3A_787 : i32
      %sign3A_789 = arith.constant 0 : i32
      %sign3A_790 = arith.cmpi sgt, %jit3A_780, %sign3A_789 : i32
      %sign3A_791 = arith.extui %sign3A_790 : i1 to i32
      %sign3A_792 = arith.constant 0 : i32
      %sign3A_793 = arith.cmpi slt, %jit3A_780, %sign3A_792 : i32
      %sign3A_794 = arith.extui %sign3A_793 : i1 to i32
      %sign3A_795 = arith.subi %sign3A_791, %sign3A_794 : i32
      %ne3A_796 = arith.cmpi ne, %sign3A_788, %sign3A_795 : i32
      %rem3A_797 = arith.remsi %add3A_756, %jit3A_780 : i32
      %ne3A_798 = arith.constant 0 : i32
      %ne3A_799 = arith.cmpi ne, %rem3A_797, %ne3A_798 : i32
      %and3A_800 = arith.andi %ne3A_796, %ne3A_799 : i1
      %sub3A_801 = arith.constant 1 : i32
      %sub3A_802 = arith.subi %div3A_781, %sub3A_801 : i32
      %select_n3A_803 = arith.select %and3A_800, %sub3A_802, %div3A_781 : i32
      %jit3A_804 = arith.constant 32 : i32
      %eq3A_805 = arith.constant 0 : i32
      %eq3A_806 = arith.cmpi eq, %jit3A_804, %eq3A_805 : i32
      %jit3A_807 = arith.constant 1 : i32
      %select_n3A_808 = arith.select %eq3A_806, %jit3A_807, %jit3A_804 : i32
      %rem3A_809 = arith.remsi %add3A_756, %select_n3A_808 : i32
      %ne3A_810 = arith.constant 0 : i32
      %ne3A_811 = arith.cmpi ne, %rem3A_809, %ne3A_810 : i32
      %lt3A_812 = arith.constant 0 : i32
      %lt3A_813 = arith.cmpi slt, %rem3A_809, %lt3A_812 : i32
      %lt3A_814 = arith.constant 0 : i32
      %lt3A_815 = arith.cmpi slt, %select_n3A_808, %lt3A_814 : i32
      %ne3A_816 = arith.xori %lt3A_813, %lt3A_815 : i1
      %and3A_817 = arith.andi %ne3A_816, %ne3A_811 : i1
      %add3A_818 = arith.addi %rem3A_809, %select_n3A_808 : i32
      %select_n3A_819 = arith.select %and3A_817, %add3A_818, %rem3A_809 : i32
      %mul3A_820 = arith.constant 128 : i32
      %mul3A_821 = arith.muli %select_n3A_819, %mul3A_820 : i32
      %dma_start3A_822 = arith.constant 3 : i32
      %dma_start3A_823 = arith.constant 3 : i32
      %dma_start3A_824 = arith.constant 0 : i32
      %dma_start3A_825 = arith.constant 0 : i32
      %dma_start3A_826 = tpu.memref_slice %arg10[%dma_start3A_822, %dma_start3A_824, %dma_start3A_825] : memref<4x64x128xf32, #tpu.memory_space<vmem>> -> memref<1x64x128xf32, #tpu.memory_space<vmem>>
      %dma_start3A_827 = tpu.memref_squeeze %dma_start3A_826 : memref<1x64x128xf32, #tpu.memory_space<vmem>> -> memref<64x128xf32, #tpu.memory_space<vmem>>
      %dma_start3A_828 = arith.constant 0 : i32
      %dma_start3A_829 = tpu.memref_slice %arg4[%select_n3A_803, %dma_start3A_828, %mul3A_821] : memref<200x64x4096xf32, #tpu.memory_space<hbm>> -> memref<1x64x128xf32, #tpu.memory_space<hbm>>
      %dma_start3A_830 = tpu.memref_squeeze %dma_start3A_829 : memref<1x64x128xf32, #tpu.memory_space<hbm>> -> memref<64x128xf32, #tpu.memory_space<hbm>>
      %dma_start3A_831 = tpu.memref_slice %arg13[%dma_start3A_823] : memref<4x!tpu.dma_semaphore, #tpu.memory_space<semaphore_mem>> -> memref<1x!tpu.dma_semaphore, #tpu.memory_space<semaphore_mem>>
      %dma_start3A_832 = tpu.memref_squeeze %dma_start3A_831 : memref<1x!tpu.dma_semaphore, #tpu.memory_space<semaphore_mem>> -> memref<!tpu.dma_semaphore, #tpu.memory_space<semaphore_mem>>
      %dma_start3A_833 = arith.constant 0 : i32
      %dma_start3A_834 = tpu.memref_slice %arg4[%select_n3A_803, %dma_start3A_833, %mul3A_821] : memref<200x64x4096xf32, #tpu.memory_space<hbm>> -> memref<1x64x128xf32, #tpu.memory_space<hbm>>
      %dma_start3A_835 = tpu.memref_squeeze %dma_start3A_834 : memref<1x64x128xf32, #tpu.memory_space<hbm>> -> memref<64x128xf32, #tpu.memory_space<hbm>>
      %dma_start3A_836 = arith.constant 0 : i32
      %dma_start3A_837 = arith.constant 0 : i32
      %dma_start3A_838 = tpu.memref_slice %arg10[%dma_start3A_822, %dma_start3A_836, %dma_start3A_837] : memref<4x64x128xf32, #tpu.memory_space<vmem>> -> memref<1x64x128xf32, #tpu.memory_space<vmem>>
      %dma_start3A_839 = tpu.memref_squeeze %dma_start3A_838 : memref<1x64x128xf32, #tpu.memory_space<vmem>> -> memref<64x128xf32, #tpu.memory_space<vmem>>
      tpu.enqueue_dma source(%dma_start3A_839 : memref<64x128xf32, #tpu.memory_space<vmem>>) target(%dma_start3A_835 : memref<64x128xf32, #tpu.memory_space<hbm>>) target_semaphore(%dma_start3A_832 : memref<!tpu.dma_semaphore, #tpu.memory_space<semaphore_mem>>)
    }
    %scan3A_227 = arith.constant 50 : i32
    %add3A_228 = arith.constant 200 : i32
    %add3A_229 = arith.addi %mul3A_2, %add3A_228 : i32
    %sub3A_230 = arith.constant 4 : i32
    %sub3A_231 = arith.subi %add3A_229, %sub3A_230 : i32
    %add3A_232 = arith.constant 0 : i32
    %add3A_233 = arith.addi %sub3A_231, %add3A_232 : i32
    %jit3A_234 = arith.constant 32 : i32
    %div3A_235 = arith.divsi %add3A_233, %jit3A_234 : i32
    %sign3A_236 = arith.constant 0 : i32
    %sign3A_237 = arith.cmpi sgt, %add3A_233, %sign3A_236 : i32
    %sign3A_238 = arith.extui %sign3A_237 : i1 to i32
    %sign3A_239 = arith.constant 0 : i32
    %sign3A_240 = arith.cmpi slt, %add3A_233, %sign3A_239 : i32
    %sign3A_241 = arith.extui %sign3A_240 : i1 to i32
    %sign3A_242 = arith.subi %sign3A_238, %sign3A_241 : i32
    %sign3A_243 = arith.constant 0 : i32
    %sign3A_244 = arith.cmpi sgt, %jit3A_234, %sign3A_243 : i32
    %sign3A_245 = arith.extui %sign3A_244 : i1 to i32
    %sign3A_246 = arith.constant 0 : i32
    %sign3A_247 = arith.cmpi slt, %jit3A_234, %sign3A_246 : i32
    %sign3A_248 = arith.extui %sign3A_247 : i1 to i32
    %sign3A_249 = arith.subi %sign3A_245, %sign3A_248 : i32
    %ne3A_250 = arith.cmpi ne, %sign3A_242, %sign3A_249 : i32
    %rem3A_251 = arith.remsi %add3A_233, %jit3A_234 : i32
    %ne3A_252 = arith.constant 0 : i32
    %ne3A_253 = arith.cmpi ne, %rem3A_251, %ne3A_252 : i32
    %and3A_254 = arith.andi %ne3A_250, %ne3A_253 : i1
    %sub3A_255 = arith.constant 1 : i32
    %sub3A_256 = arith.subi %div3A_235, %sub3A_255 : i32
    %select_n3A_257 = arith.select %and3A_254, %sub3A_256, %div3A_235 : i32
    %jit3A_258 = arith.constant 32 : i32
    %eq3A_259 = arith.constant 0 : i32
    %eq3A_260 = arith.cmpi eq, %jit3A_258, %eq3A_259 : i32
    %jit3A_261 = arith.constant 1 : i32
    %select_n3A_262 = arith.select %eq3A_260, %jit3A_261, %jit3A_258 : i32
    %rem3A_263 = arith.remsi %add3A_233, %select_n3A_262 : i32
    %ne3A_264 = arith.constant 0 : i32
    %ne3A_265 = arith.cmpi ne, %rem3A_263, %ne3A_264 : i32
    %lt3A_266 = arith.constant 0 : i32
    %lt3A_267 = arith.cmpi slt, %rem3A_263, %lt3A_266 : i32
    %lt3A_268 = arith.constant 0 : i32
    %lt3A_269 = arith.cmpi slt, %select_n3A_262, %lt3A_268 : i32
    %ne3A_270 = arith.xori %lt3A_267, %lt3A_269 : i1
    %and3A_271 = arith.andi %ne3A_270, %ne3A_265 : i1
    %add3A_272 = arith.addi %rem3A_263, %select_n3A_262 : i32
    %select_n3A_273 = arith.select %and3A_271, %add3A_272, %rem3A_263 : i32
    %mul3A_274 = arith.constant 128 : i32
    %mul3A_275 = arith.muli %select_n3A_273, %mul3A_274 : i32
    %dma_wait3A = arith.constant 0 : i32
    %dma_wait3A_276 = arith.constant 0 : i32
    %dma_wait3A_277 = arith.constant 0 : i32
    %dma_wait3A_278 = arith.constant 0 : i32
    %dma_wait3A_279 = tpu.memref_slice %arg10[%dma_wait3A, %dma_wait3A_277, %dma_wait3A_278] : memref<4x64x128xf32, #tpu.memory_space<vmem>> -> memref<1x64x128xf32, #tpu.memory_space<vmem>>
    %dma_wait3A_280 = tpu.memref_squeeze %dma_wait3A_279 : memref<1x64x128xf32, #tpu.memory_space<vmem>> -> memref<64x128xf32, #tpu.memory_space<vmem>>
    %dma_wait3A_281 = arith.constant 0 : i32
    %dma_wait3A_282 = tpu.memref_slice %arg4[%select_n3A_257, %dma_wait3A_281, %mul3A_275] : memref<200x64x4096xf32, #tpu.memory_space<hbm>> -> memref<1x64x128xf32, #tpu.memory_space<hbm>>
    %dma_wait3A_283 = tpu.memref_squeeze %dma_wait3A_282 : memref<1x64x128xf32, #tpu.memory_space<hbm>> -> memref<64x128xf32, #tpu.memory_space<hbm>>
    %dma_wait3A_284 = tpu.memref_slice %arg13[%dma_wait3A_276] : memref<4x!tpu.dma_semaphore, #tpu.memory_space<semaphore_mem>> -> memref<1x!tpu.dma_semaphore, #tpu.memory_space<semaphore_mem>>
    %dma_wait3A_285 = tpu.memref_squeeze %dma_wait3A_284 : memref<1x!tpu.dma_semaphore, #tpu.memory_space<semaphore_mem>> -> memref<!tpu.dma_semaphore, #tpu.memory_space<semaphore_mem>>
    %dma_wait3A_286 = arith.constant 0 : i32
    %dma_wait3A_287 = tpu.memref_slice %arg4[%select_n3A_257, %dma_wait3A_286, %mul3A_275] : memref<200x64x4096xf32, #tpu.memory_space<hbm>> -> memref<1x64x128xf32, #tpu.memory_space<hbm>>
    %dma_wait3A_288 = tpu.memref_squeeze %dma_wait3A_287 : memref<1x64x128xf32, #tpu.memory_space<hbm>> -> memref<64x128xf32, #tpu.memory_space<hbm>>
    %dma_wait3A_289 = arith.constant 0 : i32
    %dma_wait3A_290 = arith.constant 0 : i32
    %dma_wait3A_291 = tpu.memref_slice %arg10[%dma_wait3A, %dma_wait3A_289, %dma_wait3A_290] : memref<4x64x128xf32, #tpu.memory_space<vmem>> -> memref<1x64x128xf32, #tpu.memory_space<vmem>>
    %dma_wait3A_292 = tpu.memref_squeeze %dma_wait3A_291 : memref<1x64x128xf32, #tpu.memory_space<vmem>> -> memref<64x128xf32, #tpu.memory_space<vmem>>
    tpu.wait_dma2 semaphore(%dma_wait3A_285 : memref<!tpu.dma_semaphore, #tpu.memory_space<semaphore_mem>>) src(%dma_wait3A_292 : memref<64x128xf32, #tpu.memory_space<vmem>>) dst(%dma_wait3A_288 : memref<64x128xf32, #tpu.memory_space<hbm>>)
    %add3A_293 = arith.constant 200 : i32
    %add3A_294 = arith.addi %mul3A_2, %add3A_293 : i32
    %sub3A_295 = arith.constant 4 : i32
    %sub3A_296 = arith.subi %add3A_294, %sub3A_295 : i32
    %add3A_297 = arith.constant 1 : i32
    %add3A_298 = arith.addi %sub3A_296, %add3A_297 : i32
    %jit3A_299 = arith.constant 32 : i32
    %div3A_300 = arith.divsi %add3A_298, %jit3A_299 : i32
    %sign3A_301 = arith.constant 0 : i32
    %sign3A_302 = arith.cmpi sgt, %add3A_298, %sign3A_301 : i32
    %sign3A_303 = arith.extui %sign3A_302 : i1 to i32
    %sign3A_304 = arith.constant 0 : i32
    %sign3A_305 = arith.cmpi slt, %add3A_298, %sign3A_304 : i32
    %sign3A_306 = arith.extui %sign3A_305 : i1 to i32
    %sign3A_307 = arith.subi %sign3A_303, %sign3A_306 : i32
    %sign3A_308 = arith.constant 0 : i32
    %sign3A_309 = arith.cmpi sgt, %jit3A_299, %sign3A_308 : i32
    %sign3A_310 = arith.extui %sign3A_309 : i1 to i32
    %sign3A_311 = arith.constant 0 : i32
    %sign3A_312 = arith.cmpi slt, %jit3A_299, %sign3A_311 : i32
    %sign3A_313 = arith.extui %sign3A_312 : i1 to i32
    %sign3A_314 = arith.subi %sign3A_310, %sign3A_313 : i32
    %ne3A_315 = arith.cmpi ne, %sign3A_307, %sign3A_314 : i32
    %rem3A_316 = arith.remsi %add3A_298, %jit3A_299 : i32
    %ne3A_317 = arith.constant 0 : i32
    %ne3A_318 = arith.cmpi ne, %rem3A_316, %ne3A_317 : i32
    %and3A_319 = arith.andi %ne3A_315, %ne3A_318 : i1
    %sub3A_320 = arith.constant 1 : i32
    %sub3A_321 = arith.subi %div3A_300, %sub3A_320 : i32
    %select_n3A_322 = arith.select %and3A_319, %sub3A_321, %div3A_300 : i32
    %jit3A_323 = arith.constant 32 : i32
    %eq3A_324 = arith.constant 0 : i32
    %eq3A_325 = arith.cmpi eq, %jit3A_323, %eq3A_324 : i32
    %jit3A_326 = arith.constant 1 : i32
    %select_n3A_327 = arith.select %eq3A_325, %jit3A_326, %jit3A_323 : i32
    %rem3A_328 = arith.remsi %add3A_298, %select_n3A_327 : i32
    %ne3A_329 = arith.constant 0 : i32
    %ne3A_330 = arith.cmpi ne, %rem3A_328, %ne3A_329 : i32
    %lt3A_331 = arith.constant 0 : i32
    %lt3A_332 = arith.cmpi slt, %rem3A_328, %lt3A_331 : i32
    %lt3A_333 = arith.constant 0 : i32
    %lt3A_334 = arith.cmpi slt, %select_n3A_327, %lt3A_333 : i32
    %ne3A_335 = arith.xori %lt3A_332, %lt3A_334 : i1
    %and3A_336 = arith.andi %ne3A_335, %ne3A_330 : i1
    %add3A_337 = arith.addi %rem3A_328, %select_n3A_327 : i32
    %select_n3A_338 = arith.select %and3A_336, %add3A_337, %rem3A_328 : i32
    %mul3A_339 = arith.constant 128 : i32
    %mul3A_340 = arith.muli %select_n3A_338, %mul3A_339 : i32
    %dma_wait3A_341 = arith.constant 1 : i32
    %dma_wait3A_342 = arith.constant 1 : i32
    %dma_wait3A_343 = arith.constant 0 : i32
    %dma_wait3A_344 = arith.constant 0 : i32
    %dma_wait3A_345 = tpu.memref_slice %arg10[%dma_wait3A_341, %dma_wait3A_343, %dma_wait3A_344] : memref<4x64x128xf32, #tpu.memory_space<vmem>> -> memref<1x64x128xf32, #tpu.memory_space<vmem>>
    %dma_wait3A_346 = tpu.memref_squeeze %dma_wait3A_345 : memref<1x64x128xf32, #tpu.memory_space<vmem>> -> memref<64x128xf32, #tpu.memory_space<vmem>>
    %dma_wait3A_347 = arith.constant 0 : i32
    %dma_wait3A_348 = tpu.memref_slice %arg4[%select_n3A_322, %dma_wait3A_347, %mul3A_340] : memref<200x64x4096xf32, #tpu.memory_space<hbm>> -> memref<1x64x128xf32, #tpu.memory_space<hbm>>
    %dma_wait3A_349 = tpu.memref_squeeze %dma_wait3A_348 : memref<1x64x128xf32, #tpu.memory_space<hbm>> -> memref<64x128xf32, #tpu.memory_space<hbm>>
    %dma_wait3A_350 = tpu.memref_slice %arg13[%dma_wait3A_342] : memref<4x!tpu.dma_semaphore, #tpu.memory_space<semaphore_mem>> -> memref<1x!tpu.dma_semaphore, #tpu.memory_space<semaphore_mem>>
    %dma_wait3A_351 = tpu.memref_squeeze %dma_wait3A_350 : memref<1x!tpu.dma_semaphore, #tpu.memory_space<semaphore_mem>> -> memref<!tpu.dma_semaphore, #tpu.memory_space<semaphore_mem>>
    %dma_wait3A_352 = arith.constant 0 : i32
    %dma_wait3A_353 = tpu.memref_slice %arg4[%select_n3A_322, %dma_wait3A_352, %mul3A_340] : memref<200x64x4096xf32, #tpu.memory_space<hbm>> -> memref<1x64x128xf32, #tpu.memory_space<hbm>>
    %dma_wait3A_354 = tpu.memref_squeeze %dma_wait3A_353 : memref<1x64x128xf32, #tpu.memory_space<hbm>> -> memref<64x128xf32, #tpu.memory_space<hbm>>
    %dma_wait3A_355 = arith.constant 0 : i32
    %dma_wait3A_356 = arith.constant 0 : i32
    %dma_wait3A_357 = tpu.memref_slice %arg10[%dma_wait3A_341, %dma_wait3A_355, %dma_wait3A_356] : memref<4x64x128xf32, #tpu.memory_space<vmem>> -> memref<1x64x128xf32, #tpu.memory_space<vmem>>
    %dma_wait3A_358 = tpu.memref_squeeze %dma_wait3A_357 : memref<1x64x128xf32, #tpu.memory_space<vmem>> -> memref<64x128xf32, #tpu.memory_space<vmem>>
    tpu.wait_dma2 semaphore(%dma_wait3A_351 : memref<!tpu.dma_semaphore, #tpu.memory_space<semaphore_mem>>) src(%dma_wait3A_358 : memref<64x128xf32, #tpu.memory_space<vmem>>) dst(%dma_wait3A_354 : memref<64x128xf32, #tpu.memory_space<hbm>>)
    %add3A_359 = arith.constant 200 : i32
    %add3A_360 = arith.addi %mul3A_2, %add3A_359 : i32
    %sub3A_361 = arith.constant 4 : i32
    %sub3A_362 = arith.subi %add3A_360, %sub3A_361 : i32
    %add3A_363 = arith.constant 2 : i32
    %add3A_364 = arith.addi %sub3A_362, %add3A_363 : i32
    %jit3A_365 = arith.constant 32 : i32
    %div3A_366 = arith.divsi %add3A_364, %jit3A_365 : i32
    %sign3A_367 = arith.constant 0 : i32
    %sign3A_368 = arith.cmpi sgt, %add3A_364, %sign3A_367 : i32
    %sign3A_369 = arith.extui %sign3A_368 : i1 to i32
    %sign3A_370 = arith.constant 0 : i32
    %sign3A_371 = arith.cmpi slt, %add3A_364, %sign3A_370 : i32
    %sign3A_372 = arith.extui %sign3A_371 : i1 to i32
    %sign3A_373 = arith.subi %sign3A_369, %sign3A_372 : i32
    %sign3A_374 = arith.constant 0 : i32
    %sign3A_375 = arith.cmpi sgt, %jit3A_365, %sign3A_374 : i32
    %sign3A_376 = arith.extui %sign3A_375 : i1 to i32
    %sign3A_377 = arith.constant 0 : i32
    %sign3A_378 = arith.cmpi slt, %jit3A_365, %sign3A_377 : i32
    %sign3A_379 = arith.extui %sign3A_378 : i1 to i32
    %sign3A_380 = arith.subi %sign3A_376, %sign3A_379 : i32
    %ne3A_381 = arith.cmpi ne, %sign3A_373, %sign3A_380 : i32
    %rem3A_382 = arith.remsi %add3A_364, %jit3A_365 : i32
    %ne3A_383 = arith.constant 0 : i32
    %ne3A_384 = arith.cmpi ne, %rem3A_382, %ne3A_383 : i32
    %and3A_385 = arith.andi %ne3A_381, %ne3A_384 : i1
    %sub3A_386 = arith.constant 1 : i32
    %sub3A_387 = arith.subi %div3A_366, %sub3A_386 : i32
    %select_n3A_388 = arith.select %and3A_385, %sub3A_387, %div3A_366 : i32
    %jit3A_389 = arith.constant 32 : i32
    %eq3A_390 = arith.constant 0 : i32
    %eq3A_391 = arith.cmpi eq, %jit3A_389, %eq3A_390 : i32
    %jit3A_392 = arith.constant 1 : i32
    %select_n3A_393 = arith.select %eq3A_391, %jit3A_392, %jit3A_389 : i32
    %rem3A_394 = arith.remsi %add3A_364, %select_n3A_393 : i32
    %ne3A_395 = arith.constant 0 : i32
    %ne3A_396 = arith.cmpi ne, %rem3A_394, %ne3A_395 : i32
    %lt3A_397 = arith.constant 0 : i32
    %lt3A_398 = arith.cmpi slt, %rem3A_394, %lt3A_397 : i32
    %lt3A_399 = arith.constant 0 : i32
    %lt3A_400 = arith.cmpi slt, %select_n3A_393, %lt3A_399 : i32
    %ne3A_401 = arith.xori %lt3A_398, %lt3A_400 : i1
    %and3A_402 = arith.andi %ne3A_401, %ne3A_396 : i1
    %add3A_403 = arith.addi %rem3A_394, %select_n3A_393 : i32
    %select_n3A_404 = arith.select %and3A_402, %add3A_403, %rem3A_394 : i32
    %mul3A_405 = arith.constant 128 : i32
    %mul3A_406 = arith.muli %select_n3A_404, %mul3A_405 : i32
    %dma_wait3A_407 = arith.constant 2 : i32
    %dma_wait3A_408 = arith.constant 2 : i32
    %dma_wait3A_409 = arith.constant 0 : i32
    %dma_wait3A_410 = arith.constant 0 : i32
    %dma_wait3A_411 = tpu.memref_slice %arg10[%dma_wait3A_407, %dma_wait3A_409, %dma_wait3A_410] : memref<4x64x128xf32, #tpu.memory_space<vmem>> -> memref<1x64x128xf32, #tpu.memory_space<vmem>>
    %dma_wait3A_412 = tpu.memref_squeeze %dma_wait3A_411 : memref<1x64x128xf32, #tpu.memory_space<vmem>> -> memref<64x128xf32, #tpu.memory_space<vmem>>
    %dma_wait3A_413 = arith.constant 0 : i32
    %dma_wait3A_414 = tpu.memref_slice %arg4[%select_n3A_388, %dma_wait3A_413, %mul3A_406] : memref<200x64x4096xf32, #tpu.memory_space<hbm>> -> memref<1x64x128xf32, #tpu.memory_space<hbm>>
    %dma_wait3A_415 = tpu.memref_squeeze %dma_wait3A_414 : memref<1x64x128xf32, #tpu.memory_space<hbm>> -> memref<64x128xf32, #tpu.memory_space<hbm>>
    %dma_wait3A_416 = tpu.memref_slice %arg13[%dma_wait3A_408] : memref<4x!tpu.dma_semaphore, #tpu.memory_space<semaphore_mem>> -> memref<1x!tpu.dma_semaphore, #tpu.memory_space<semaphore_mem>>
    %dma_wait3A_417 = tpu.memref_squeeze %dma_wait3A_416 : memref<1x!tpu.dma_semaphore, #tpu.memory_space<semaphore_mem>> -> memref<!tpu.dma_semaphore, #tpu.memory_space<semaphore_mem>>
    %dma_wait3A_418 = arith.constant 0 : i32
    %dma_wait3A_419 = tpu.memref_slice %arg4[%select_n3A_388, %dma_wait3A_418, %mul3A_406] : memref<200x64x4096xf32, #tpu.memory_space<hbm>> -> memref<1x64x128xf32, #tpu.memory_space<hbm>>
    %dma_wait3A_420 = tpu.memref_squeeze %dma_wait3A_419 : memref<1x64x128xf32, #tpu.memory_space<hbm>> -> memref<64x128xf32, #tpu.memory_space<hbm>>
    %dma_wait3A_421 = arith.constant 0 : i32
    %dma_wait3A_422 = arith.constant 0 : i32
    %dma_wait3A_423 = tpu.memref_slice %arg10[%dma_wait3A_407, %dma_wait3A_421, %dma_wait3A_422] : memref<4x64x128xf32, #tpu.memory_space<vmem>> -> memref<1x64x128xf32, #tpu.memory_space<vmem>>
    %dma_wait3A_424 = tpu.memref_squeeze %dma_wait3A_423 : memref<1x64x128xf32, #tpu.memory_space<vmem>> -> memref<64x128xf32, #tpu.memory_space<vmem>>
    tpu.wait_dma2 semaphore(%dma_wait3A_417 : memref<!tpu.dma_semaphore, #tpu.memory_space<semaphore_mem>>) src(%dma_wait3A_424 : memref<64x128xf32, #tpu.memory_space<vmem>>) dst(%dma_wait3A_420 : memref<64x128xf32, #tpu.memory_space<hbm>>)
    %add3A_425 = arith.constant 200 : i32
    %add3A_426 = arith.addi %mul3A_2, %add3A_425 : i32
    %sub3A_427 = arith.constant 4 : i32
    %sub3A_428 = arith.subi %add3A_426, %sub3A_427 : i32
    %add3A_429 = arith.constant 3 : i32
    %add3A_430 = arith.addi %sub3A_428, %add3A_429 : i32
    %jit3A_431 = arith.constant 32 : i32
    %div3A_432 = arith.divsi %add3A_430, %jit3A_431 : i32
    %sign3A_433 = arith.constant 0 : i32
    %sign3A_434 = arith.cmpi sgt, %add3A_430, %sign3A_433 : i32
    %sign3A_435 = arith.extui %sign3A_434 : i1 to i32
    %sign3A_436 = arith.constant 0 : i32
    %sign3A_437 = arith.cmpi slt, %add3A_430, %sign3A_436 : i32
    %sign3A_438 = arith.extui %sign3A_437 : i1 to i32
    %sign3A_439 = arith.subi %sign3A_435, %sign3A_438 : i32
    %sign3A_440 = arith.constant 0 : i32
    %sign3A_441 = arith.cmpi sgt, %jit3A_431, %sign3A_440 : i32
    %sign3A_442 = arith.extui %sign3A_441 : i1 to i32
    %sign3A_443 = arith.constant 0 : i32
    %sign3A_444 = arith.cmpi slt, %jit3A_431, %sign3A_443 : i32
    %sign3A_445 = arith.extui %sign3A_444 : i1 to i32
    %sign3A_446 = arith.subi %sign3A_442, %sign3A_445 : i32
    %ne3A_447 = arith.cmpi ne, %sign3A_439, %sign3A_446 : i32
    %rem3A_448 = arith.remsi %add3A_430, %jit3A_431 : i32
    %ne3A_449 = arith.constant 0 : i32
    %ne3A_450 = arith.cmpi ne, %rem3A_448, %ne3A_449 : i32
    %and3A_451 = arith.andi %ne3A_447, %ne3A_450 : i1
    %sub3A_452 = arith.constant 1 : i32
    %sub3A_453 = arith.subi %div3A_432, %sub3A_452 : i32
    %select_n3A_454 = arith.select %and3A_451, %sub3A_453, %div3A_432 : i32
    %jit3A_455 = arith.constant 32 : i32
    %eq3A_456 = arith.constant 0 : i32
    %eq3A_457 = arith.cmpi eq, %jit3A_455, %eq3A_456 : i32
    %jit3A_458 = arith.constant 1 : i32
    %select_n3A_459 = arith.select %eq3A_457, %jit3A_458, %jit3A_455 : i32
    %rem3A_460 = arith.remsi %add3A_430, %select_n3A_459 : i32
    %ne3A_461 = arith.constant 0 : i32
    %ne3A_462 = arith.cmpi ne, %rem3A_460, %ne3A_461 : i32
    %lt3A_463 = arith.constant 0 : i32
    %lt3A_464 = arith.cmpi slt, %rem3A_460, %lt3A_463 : i32
    %lt3A_465 = arith.constant 0 : i32
    %lt3A_466 = arith.cmpi slt, %select_n3A_459, %lt3A_465 : i32
    %ne3A_467 = arith.xori %lt3A_464, %lt3A_466 : i1
    %and3A_468 = arith.andi %ne3A_467, %ne3A_462 : i1
    %add3A_469 = arith.addi %rem3A_460, %select_n3A_459 : i32
    %select_n3A_470 = arith.select %and3A_468, %add3A_469, %rem3A_460 : i32
    %mul3A_471 = arith.constant 128 : i32
    %mul3A_472 = arith.muli %select_n3A_470, %mul3A_471 : i32
    %dma_wait3A_473 = arith.constant 3 : i32
    %dma_wait3A_474 = arith.constant 3 : i32
    %dma_wait3A_475 = arith.constant 0 : i32
    %dma_wait3A_476 = arith.constant 0 : i32
    %dma_wait3A_477 = tpu.memref_slice %arg10[%dma_wait3A_473, %dma_wait3A_475, %dma_wait3A_476] : memref<4x64x128xf32, #tpu.memory_space<vmem>> -> memref<1x64x128xf32, #tpu.memory_space<vmem>>
    %dma_wait3A_478 = tpu.memref_squeeze %dma_wait3A_477 : memref<1x64x128xf32, #tpu.memory_space<vmem>> -> memref<64x128xf32, #tpu.memory_space<vmem>>
    %dma_wait3A_479 = arith.constant 0 : i32
    %dma_wait3A_480 = tpu.memref_slice %arg4[%select_n3A_454, %dma_wait3A_479, %mul3A_472] : memref<200x64x4096xf32, #tpu.memory_space<hbm>> -> memref<1x64x128xf32, #tpu.memory_space<hbm>>
    %dma_wait3A_481 = tpu.memref_squeeze %dma_wait3A_480 : memref<1x64x128xf32, #tpu.memory_space<hbm>> -> memref<64x128xf32, #tpu.memory_space<hbm>>
    %dma_wait3A_482 = tpu.memref_slice %arg13[%dma_wait3A_474] : memref<4x!tpu.dma_semaphore, #tpu.memory_space<semaphore_mem>> -> memref<1x!tpu.dma_semaphore, #tpu.memory_space<semaphore_mem>>
    %dma_wait3A_483 = tpu.memref_squeeze %dma_wait3A_482 : memref<1x!tpu.dma_semaphore, #tpu.memory_space<semaphore_mem>> -> memref<!tpu.dma_semaphore, #tpu.memory_space<semaphore_mem>>
    %dma_wait3A_484 = arith.constant 0 : i32
    %dma_wait3A_485 = tpu.memref_slice %arg4[%select_n3A_454, %dma_wait3A_484, %mul3A_472] : memref<200x64x4096xf32, #tpu.memory_space<hbm>> -> memref<1x64x128xf32, #tpu.memory_space<hbm>>
    %dma_wait3A_486 = tpu.memref_squeeze %dma_wait3A_485 : memref<1x64x128xf32, #tpu.memory_space<hbm>> -> memref<64x128xf32, #tpu.memory_space<hbm>>
    %dma_wait3A_487 = arith.constant 0 : i32
    %dma_wait3A_488 = arith.constant 0 : i32
    %dma_wait3A_489 = tpu.memref_slice %arg10[%dma_wait3A_473, %dma_wait3A_487, %dma_wait3A_488] : memref<4x64x128xf32, #tpu.memory_space<vmem>> -> memref<1x64x128xf32, #tpu.memory_space<vmem>>
    %dma_wait3A_490 = tpu.memref_squeeze %dma_wait3A_489 : memref<1x64x128xf32, #tpu.memory_space<vmem>> -> memref<64x128xf32, #tpu.memory_space<vmem>>
    tpu.wait_dma2 semaphore(%dma_wait3A_483 : memref<!tpu.dma_semaphore, #tpu.memory_space<semaphore_mem>>) src(%dma_wait3A_490 : memref<64x128xf32, #tpu.memory_space<vmem>>) dst(%dma_wait3A_486 : memref<64x128xf32, #tpu.memory_space<hbm>>)
    return
  }
}

</mosaic_0001>

<sc_bundles>
// kernel: kernel.3.cloned.1.call-start
scs
__scs_entry_jumppad:
0x0: {  	(pc) =	sbr.rel $0x88, $3  }
0x1: {  	(tag) =	ssettag $0x0;
	lr =	simm.s32 $0x1  }
0x2: {  	[smem:$0x3F9F] =	sst lr;
	_ =	strace $0xD0000000  }
0x3: {  	_ = 	snop  }
0x4: {  	_ = 	snop  }
0x5: {  	_ = 	snop  }
0x6: {  	_ = 	snop  }
0x7: {  	_ = 	snop  }
__scs_overlays_trampoline_lowered:
0x8: {  	[smem:$0x3FAE] =	sst s0  }
0x9: {  	[smem:$0x3FAF] =	sst s1  }
0xa: {  	[smem:$0x3FB0] =	sst s2  }
0xb: {  	[smem:$0x3FB1] =	sst s3  }
0xc: {  	[smem:$0x3FB2] =	sst s4  }
0xd: {  	[smem:$0x3FB3] =	sst s5  }
0xe: {  	[smem:$0x3FB4] =	sst s6  }
0xf: {  	[smem:$0x3FB5] =	sst s7  }
0x10: {  	[smem:$0x3FB6] =	sst s8  }
0x11: {  	[smem:$0x3FB7] =	sst s9;
	s0 =	simm.s32 @!p0 $0x0  }
0x12: {  	s1 =	sld [smem:$0x3F9D];
	s0 =	simm.s32 @p0 $0x1  }
0x13: {  	[smem:$0x3FB8] =	sst s0;
	s0 =	simm.s32 @!p1 $0x0  }
0x14: {  	s2 =	sld [smem:$0x3F9C];
	s0 =	simm.s32 @p1 $0x1  }
0x15: {  	[smem:$0x3FB9] =	sst s0;
	s0 =	simm.s32 @!p2 $0x0  }
0x16: {  	s3 =	sld [smem:$0x3FDB];
	s0 =	simm.s32 @p2 $0x1  }
0x17: {  	s4 =	simm.s32 $0x1BF5;
	[smem:$0x3FBB] =	sst s0  }
0x18: {  	s0 =	sld [smem:$0x3F9E];
	_ =	swait.ge [sflag:s4], $0x0  }
0x19: {  	s7 =	sld [smem:$0x3F9F]  }
0x1a: {  	s8 =	sadd.s32 $0xFFFFE003, lr  }
0x1b: {  	s9 =	sadd.s32 $0xFFFFFEF7, lr;
	s5 =	simm.s32 $0xFFFFFFFF;
	p2 =	slt.u32 s8, $0xFFFFF086  }
0x1c: {  	p1 =	slt.u32 s9, $0xF7A;
	s5 =	simm.s32 @!p2 $0x0  }
0x1d: {  	s5 =	simm.s32 @p1 $0x1;
	p0 =	seq.s32 s7, s2  }
0x1e: {  	s7 =	smul.u32 @!p0 $0xF7A, s2;
	p2 =	seq.s32 @!p0 s5, $0x0  }
0x1f: {  	s9 =	smul.u32 $0xF7A, s1;
	s8 =	simm.s32 @!p0 $0x1BF5;
	p2 =	por !p2, p0  }
0x20: {  	[sflag:s8] =	ssyncset.s32 @!p0 $0xFFFFF086;
	s6 =	sadd.s32 @!p0 s3, s7;
	s7 =	simm.s32 @!p0 $0x108  }
0x21: {  	s3 =	sadd.s32 s3, s9;
	s6 =	sadd.s32 @!p0 $0x88, s6;
	s7 =	simm.s32 @p2 $0x1082  }
0x22: {  	[simem:s7], [sflag:s8] =	dma.local @!p0 [hbm:s6], $0xF7A  }
0x23: {  	s9 =	sor.u32 $0xD0000000, s2;
	s6 =	simm.s32 $0x108;
	_ =	swait.ge @!p0 [sflag:s8], $0x0  }
0x24: {  	s3 =	sadd.s32 $0x88, s3;
	s6 =	simm.s32 @!p1 $0x1082;
	[sflag:s4] =	ssyncset.s32 $0xFFFFF086  }
0x25: {  	[simem:s6], [sflag:s4] =	dma.local [hbm:s3], $0xF7A  }
0x26: {  	[smem:$0x3F9F] =	sst s1;
	(tag) =	ssettag s2;
	_ =	strace s9  }
0x27: {  	s1 =	sld [smem:$0x3FAF]  }
0x28: {  	s2 =	sld [smem:$0x3FB0]  }
0x29: {  	s4 =	sld [smem:$0x3FB2]  }
0x2a: {  	p0 =	seq.s32 s5, $0x0;
	s5 =	sld [smem:$0x3FB3]  }
0x2b: {  	s6 =	sld [smem:$0x3FB4]  }
0x2c: {  	s7 =	sld [smem:$0x3FB5]  }
0x2d: {  	s3 =	simm.s32 $0x108;
	s8 =	sld [smem:$0x3FB6]  }
0x2e: {  	s3 =	simm.s32 @!p0 $0x1082;
	s9 =	sld [smem:$0x3FB7]  }
0x2f: {  	lr =	sadd.s32 s0, s3;
	s0 =	sld [smem:$0x3FAE]  }
0x30: {  	s3 =	sld [smem:$0x3FB1]  }
0x31: {  	[smem:$0x3FBA] =	sst s10  }
0x32: {  	s10 =	sld [smem:$0x3FB8];
	_ =	sdelay $0x3  }
0x33: {  	p0 =	seq.s32 s10, $0x1;
	s10 =	sld [smem:$0x3FBA];
	_ =	sdelay $0x3  }
0x34: {  	[smem:$0x3FBA] =	sst s10  }
0x35: {  	s10 =	sld [smem:$0x3FB9];
	_ =	sdelay $0x3  }
0x36: {  	p1 =	seq.s32 s10, $0x1;
	s10 =	sld [smem:$0x3FBA];
	_ =	sdelay $0x3  }
0x37: {  	[smem:$0x3FBA] =	sst s10  }
0x38: {  	s10 =	sld [smem:$0x3FBB]  }
0x39: {  	_ = 	snop;
	(pc) =	sbr.ind lr, $3  }
0x3a: {  	_ = 	snop  }
0x3b: {  	_ = 	snop  }
0x3c: {  	p2 =	seq.s32 s10, $0x1;
	s10 =	sld [smem:$0x3FBA]  }
0x3d: {  	_ =	shalt  }
0x3e: {  	_ =	shalt  }
0x3f: {  	_ =	shalt  }
0x40: {  	_ =	shalt  }
0x41: {  	_ =	shalt  }
0x42: {  	_ =	shalt  }
0x43: {  	_ =	shalt  }
0x44: {  	_ =	shalt  }
0x45: {  	_ =	shalt  }
0x46: {  	_ =	shalt  }
0x47: {  	_ =	shalt  }
0x48: {  	_ =	shalt  }
0x49: {  	_ =	shalt  }
0x4a: {  	_ =	shalt  }
0x4b: {  	_ =	shalt  }
0x4c: {  	_ =	shalt  }
0x4d: {  	_ =	shalt  }
0x4e: {  	_ =	shalt  }
0x4f: {  	_ =	shalt  }
0x50: {  	_ =	shalt  }
0x51: {  	_ =	shalt  }
0x52: {  	_ =	shalt  }
0x53: {  	_ =	shalt  }
0x54: {  	_ =	shalt  }
0x55: {  	_ =	shalt  }
0x56: {  	_ =	shalt  }
0x57: {  	_ =	shalt  }
0x58: {  	_ =	shalt  }
0x59: {  	_ =	shalt  }
0x5a: {  	_ =	shalt  }
0x5b: {  	_ =	shalt  }
0x5c: {  	_ =	shalt  }
0x5d: {  	_ =	shalt  }
0x5e: {  	_ =	shalt  }
0x5f: {  	_ =	shalt  }
0x60: {  	_ =	shalt  }
0x61: {  	_ =	shalt  }
0x62: {  	_ =	shalt  }
0x63: {  	_ =	shalt  }
0x64: {  	_ =	shalt  }
0x65: {  	_ =	shalt  }
0x66: {  	_ =	shalt  }
0x67: {  	_ =	shalt  }
0x68: {  	_ =	shalt  }
0x69: {  	_ =	shalt  }
0x6a: {  	_ =	shalt  }
0x6b: {  	_ =	shalt  }
0x6c: {  	_ =	shalt  }
0x6d: {  	_ =	shalt  }
0x6e: {  	_ =	shalt  }
0x6f: {  	_ =	shalt  }
0x70: {  	_ =	shalt  }
0x71: {  	_ =	shalt  }
0x72: {  	_ =	shalt  }
0x73: {  	_ =	shalt  }
0x74: {  	_ =	shalt  }
0x75: {  	_ =	shalt  }
0x76: {  	_ =	shalt  }
0x77: {  	_ =	shalt  }
0x78: {  	_ =	shalt  }
0x79: {  	_ =	shalt  }
0x7a: {  	_ =	shalt  }
0x7b: {  	_ =	shalt  }
0x7c: {  	_ =	shalt  }
0x7d: {  	_ =	shalt  }
0x7e: {  	_ =	shalt  }
0x7f: {  	_ =	shalt  }
0x80: {  	_ =	shalt  }
0x81: {  	_ =	shalt  }
0x82: {  	_ =	shalt  }
0x83: {  	_ =	shalt  }
0x84: {  	_ =	shalt  }
0x85: {  	_ =	shalt  }
0x86: {  	_ =	shalt  }
0x87: {  	_ =	shalt  }
.Lfunc_end0:
.L_simem_size_0:
called_computation_lowered:
.L_overlay_start_0:
0x88: {  	s2 =	sld [smem:$0x3FD9]  }
0x89: {  	s3 =	sld [smem:$0x3FFE];
	_ =	sdelay $0x1  }
0x8a: {  	s1 =	srdreg.scid  }
0x8b: {  	s0 =	sand.u32 $0x1, s1  }
0x8c: {  	s17 =	sshll.u32 s0, $0xA;
	s2 =	sadd.s32 s3, s2  }
0x8d: {  	s2 =	sadd.s32 s2, s17  }
0x8e: {  	[smem:$0x3FC6] =	sst s2  }
0x8f: {  	_ = 	snop  }
0x90: {  	s2 =	sld [smem:$0x3FD0];
	(tm) =	ssettm $0x1  }
0x91: {  	s18 =	sld [smem:$0x3FFB];
	_ =	sdelay $0x3  }
0x92: {  	_ =	strace s18  }
0x93: {  	s3 =	sld [smem:$0x3FFC];
	_ =	sdelay $0x3  }
0x94: {  	_ =	strace s3  }
0x95: {  	s3 =	sld [smem:$0x3FFD];
	_ =	sdelay $0x3  }
0x96: {  	_ =	strace s3  }
0x97: {  	_ =	strace $0x8FFFFFFF  }
0x98: {  	s19 =	sld [smem:$0x3FDB];
	_ =	sdelay $0x1  }
0x99: {  	s4 =	simm.s32 $_scs_section_size  }
0x9a: {  	s5 =	simm.s32 $_size__tile_overlayer_lowered;
	s6 =	simm.s32 $_tile_overlayer_lowered  }
0x9b: {  	s22 =	simm.s32 $0x1BFF;
	s21 =	sshll.u32 s6, $0x1;
	s3 =	sadd.s32 s4, s19  }
0x9c: {  	s7 =	simm.s32 $0x0;
	s20 =	sshll.u32 s5, $0x1;
	s5 =	sadd.s32 s21, s3  }
0x9d: {  	[timem:s7], [sflag:s22] =	dma.local [hbm:s5], s20  }
0x9e: {  	_ =	swait.ge [sflag:s22], s20  }
0x9f: {  	s4 =	ssub.s32 $0x0, s20;
	[sflag:s22] =	ssyncset.done $0x0  }
0xa0: {  	[sflag:s22] =	ssyncadd.s32 s4;
	_ =	sdelay $0x1  }
0xa1: {  	s23 =	simm.s32 $0x1B8B  }
0xa2: {  	_ =	swait.ge [sflag:s23], $0x1  }
0xa3: {  	[sflag:s23] =	ssyncset.done $0x0  }
0xa4: {  	s25 =	simm.s32 $0x1B8E;
	s24 =	sld [smem:$0x3FFE];
	[sflag:s23] =	ssyncadd.s32 $0xFFFFFFFF  }
0xa5: {  	s26 =	simm.s32 $execute0_lowered;
	[smem:$0x3FD2] =	sst s25  }
0xa6: {  	s5 =	sshll.u32 s26, $0x1;
	_ =	strace $0x80000046;
	[dreg:$0x1] =	wrdreg $0xFFFFFFFF  }
0xa7: {  	s28 =	simm.s32 $_size_execute0_lowered;
	s3 =	sadd.s32 s3, s5;
	[dreg:$0x0] =	wrdreg $0x0  }
0xa8: {  	s5 =	sshll.u32 s28, $0x1;
	[dreg:$0x2] =	wrdreg s3  }
0xa9: {  	[dreg:$0x3] =	wrdreg s5  }
0xaa: {  	[dreg:$0x4] =	wrdreg $0xC0  }
0xab: {  	_ =	task [dreg:s7], $0x5FFFF  }
0xac: {  	[dreg:$0x1] =	wrdreg $0xFFFFFFFF  }
0xad: {  	[dreg:$0x0] =	wrdreg $0x60  }
0xae: {  	[dreg:$0x2] =	wrdreg s2  }
0xaf: {  	[dreg:$0x3] =	wrdreg s24  }
0xb0: {  	[dreg:$0x4] =	wrdreg $0x9  }
0xb1: {  	_ =	task.clear_ibuf [dreg:s7], $0x5FFFF;
	_ =	strace $0x90000046  }
0xb2: {  	s29 =	simm.s32 $0x9;
	_ =	strace $0x80000048  }
0xb3: {  	_ =	swait.ge [sflag:s29], $0x1  }
0xb4: {  	[sflag:s29] =	ssyncadd.s32 $0xFFFFFFFF  }
0xb5: {  	_ =	strace $0x90000048  }
0xb6: {  	_ =	sfence  }
0xb7: {  	s30 =	sld [smem:$0x0];
	_ =	sdelay $0x2  }
0xb8: {  	s31 =	sshll.u32 s1, $0xD;
	s1 =	sshrl.u32 s1, $0x2  }
0xb9: {  	s3 =	sand.u32 $0x4000, s31;
	s1 =	sadd.s32 s1, s30  }
0xba: {  	s0 =	sor.u32 s3, s0;
	s1 =	sshll.u32 s1, $0x11  }
0xbb: {  	s0 =	sor.u32 s1, s0  }
0xbc: {  	s0 =	sadd.s32 $0x8F2B, s0  }
0xbd: {  	[sflag:s0] =	ssyncadd.remote.s32 $0x1  }
0xbe: {  	_ =	sfence.sel $0xFFFF  }
0xbf: {  	[dreg:$0x0] =	wrdreg $0xFFFFFFFF;
	(pc) =	sbr.abs _section_cstart, $3  }
0xc0: {  	[dreg:$0x1] =	wrdreg $0xFFFFFFFF  }
0xc1: {  	_ =	task.clear_ibuf [dreg:s7], $0x2FFFF;
	_ =	strace $0x9FFFFFFF  }
0xc2: {  	(tm) =	ssettm $0x7FFFFFFF  }
0xc3: {  	_ =	shalt  }
tec
execute0_lowered:
.L_overlay_start_1:
0x0: {  	(tag) =	ssettag $0x1  }
0x1: {  	s0 =	srdreg.scid  }
0x2: {  	s11 =	stileid.u32;
	s1 =	rddreg [dreg:$0x0]  }
0x3: {  	s4 =	rddreg [dreg:$0x1];
	s13 =	simm.s32 $0xD;
	s14 =	simm.s32 $0x80  }
0x4: {  	s21 =	simm.s32 $0x5;
	s22 =	simm.s32 $0x1000;
	s30 =	simm.s32 $0x8200  }
0x5: {  	s31 =	simm.s32 $0xE200;
	s28 =	simm.s32 $0xC;
	s8 =	smul.u32 $0x1900, s11  }
0x6: {  	s0 =	sand.u32 $0x1, s0;
	s2 =	sshll.u32 s11, $0x1;
	s12 =	smul.u32 $0x64000, s11  }
0x7: {  	s29 =	simm.s32 $0x0;
	s3 =	sor.u32 s0, s2;
	s9 =	smul.u32 $0xC80, s0  }
0x8: {  	s2 =	simm.s32 $0x0;
	s23 =	ssub.s32 $0x2, s0;
	s0 =	smul.u32 $0x32000, s0  }
0x9: {  	s5 =	smul.u32 $0x6400, s3;
	[smem:$0x7FF] =	sst s2;
	s3 =	sshll.u32 s3, $0xA  }
0xa: {  	s7 =	sshrl.u32 s23, $0x1;
	_ =	strace $0x80000047;
	s6 =	sand.u32 $0xC00, s3  }
0xb: {  	s3 =	sadd.s32 $0xF42A00, s4;
	s4 =	sadd.s32 $0x600, s4;
	s5 =	sand.u32 $0xFF000, s5  }
0xc: {  	s10 =	ssub.s32 s23, s7;
	[dreg:$0x3] =	wrdreg s30;
	s5 =	sor.u32 s6, s5  }
0xd: {  	[dreg:$0x4] =	wrdreg s31;
	s26 =	smax.u32 s10, $0x1;
	s5 =	sshrl.u32 s5, $0x3  }
0xe: {  	s8 =	sadd.s32 s9, s8;
	[dreg:$0x9] =	wrdreg s26;
	s5 =	sadd.s32 s1, s5  }
0xf: {  	s12 =	sadd.s32 s0, s12;
	s24 =	sadd.s32 $0x10, s5;
	[dreg:$0x5] =	wrdreg s5  }
0x10: {  	s23 =	simm.s32 $0x6;
	s25 =	sadd.s32 $0x20, s5;
	[dreg:$0x6] =	wrdreg s24  }
0x11: {  	s11 =	sadd.s32 s1, s8;
	s5 =	sadd.s32 $0x30, s5;
	[dreg:$0x7] =	wrdreg s25  }
0x12: {  	s26 =	simm.s32 $0xB;
	[dreg:$0x8] =	wrdreg s5;
	s25 =	simm.s32 $0xA  }
.LBB2_1:
0x13: {  	s0 =	rddreg [dreg:$0x5]  }
0x14: {  	[tilespmem:s2], [sflag:$0xD] =	stream.linear.gather [hbm4b:s0+s2], $0x80, $0x38;
	[tilespmem:$0x10200] =	vst v63  }
0x15: {  	_ =	swait.ge [sflag:s13], $0x80  }
0x16: {  	[sflag:s13] =	ssyncset.done $0x0  }
0x17: {  	s6 =	simm.s32 $0x200;
	[sflag:s13] =	ssyncadd.s32 $0xFFFFFF80  }
0x18: {  	[tilespmem:s6], [sflag:$0x5] =	stream.indirect.gather [hbm4b:s3+s14], $0x40, s2, s14, $0xb8;
	[tilespmem:$0x10200] =	vst v63  }
0x19: {  	s7 =	rddreg [dreg:$0x6]  }
0x1a: {  	[tilespmem:s14], [sflag:$0xD] =	stream.linear.gather [hbm4b:s7+s2], $0x80, $0x38;
	[tilespmem:$0x10200] =	vst v63  }
0x1b: {  	_ =	swait.ge [sflag:s13], $0x80  }
0x1c: {  	[sflag:s13] =	ssyncset.done $0x0  }
0x1d: {  	s9 =	simm.s32 $0x2200;
	[sflag:s13] =	ssyncadd.s32 $0xFFFFFF80  }
0x1e: {  	[tilespmem:s9], [sflag:$0x6] =	stream.indirect.gather [hbm4b:s3+s14], $0x40, s14, s14, $0xb8;
	[tilespmem:$0x10200] =	vst v63  }
0x1f: {  	s1 =	simm.s32 $0x100;
	s10 =	rddreg [dreg:$0x7]  }
0x20: {  	[tilespmem:s1], [sflag:$0xD] =	stream.linear.gather [hbm4b:s10+s2], $0x80, $0x38;
	[tilespmem:$0x10200] =	vst v63  }
0x21: {  	_ =	swait.ge [sflag:s13], $0x80  }
0x22: {  	[sflag:s13] =	ssyncset.done $0x0  }
0x23: {  	s15 =	simm.s32 $0x4200;
	[sflag:s13] =	ssyncadd.s32 $0xFFFFFF80  }
0x24: {  	[tilespmem:s15], [sflag:$0x7] =	stream.indirect.gather [hbm4b:s3+s14], $0x40, s1, s14, $0xb8;
	[tilespmem:$0x10200] =	vst v63  }
0x25: {  	s17 =	simm.s32 $0x180;
	s16 =	rddreg [dreg:$0x8]  }
0x26: {  	[tilespmem:s17], [sflag:$0xD] =	stream.linear.gather [hbm4b:s16+s2], $0x80, $0x38;
	[tilespmem:$0x10200] =	vst v63  }
0x27: {  	_ =	swait.ge [sflag:s13], $0x80  }
0x28: {  	[sflag:s13] =	ssyncset.done $0x0  }
0x29: {  	s18 =	simm.s32 $0x6200;
	p2 =	por $0x1, $0x1;
	[sflag:s13] =	ssyncadd.s32 $0xFFFFFF80  }
0x2a: {  	[tilespmem:s18], [sflag:$0x8] =	stream.indirect.gather [hbm4b:s3+s14], $0x40, s17, s14, $0xb8;
	[tilespmem:$0x10200] =	vst v63  }
0x2b: {  	s0 =	sadd.s32 @p2 $0x0, s11;
	p0 =	por @p2 $0x1, $0x1;
	_ =	swait.ge [sflag:s21], $0x2000  }
0x2c: {  	s0 =	sadd.s32 @p2 $0x40, s0;
	p1 =	por p0, !p2;
	[sflag:s21] =	ssyncset.done $0x0  }
0x2d: {  	s1 =	simm.s32 @p2 $0x0;
	s15 =	simm.s32 @!p1 $0x9;
	[sflag:s21] =	ssyncadd.s32 $0xFFFFE000  }
0x2e: {  	[tilespmem:s1], [sflag:$0x1] =	stream.linear.gather @p2 [hbm4b:s0+s1], $0x80, $0x38;
	[tilespmem:$0x10200] =	vst v63  }
0x2f: {  	_ =	swait.ge @!p1 [sflag:s15], $0x2000  }
0x30: {  	[sflag:s15] =	ssyncset.done @!p1 $0x0  }
0x31: {  	s0 =	simm.s32 @p2 $0x1;
	[sflag:s15] =	ssyncadd.s32 @!p1 $0xFFFFE000  }
0x32: {  	s19 =	sadd.s32 $0x0, s8;
	s16 =	simm.s32 @p2 $0x200;
	_ =	swait.ge @p2 [sflag:s0], $0x80  }
0x33: {  	s18 =	simm.s32 @!p2 $0x9;
	p1 =	por @!p2 $0x0, $0x0;
	[sflag:s0] =	ssyncset.done @p2 $0x0  }
0x34: {  	s15 =	simm.s32 @p2 $0x80;
	p0 =	por @!p2 p1, p1;
	[sflag:s0] =	ssyncadd.s32 @p2 $0xFFFFFF80  }
0x35: {  	[tilespmem:s16], [sflag:$0x5] =	stream.indirect.gather @p2 [hbm4b:s3+s15], $0x40, s1, s15, $0xb8;
	[tilespmem:$0x10200] =	vst v63  }
0x36: {  	p1 =	por $0x0, $0x0;
	s0 =	sand.u32 $0x1C0, s19;
	_ =	swait.ge @!p2 [sflag:s18], $0x2000  }
0x37: {  	s1 =	sand.u32 $0xFFF8000, s12;
	s24 =	sadd.s32 s4, s0;
	[sflag:s18] =	ssyncset.done @!p2 $0x0  }
0x38: {  	s16 =	sadd.s32 s1, s24;
	s20 =	rddreg [dreg:$0x3];
	[sflag:s18] =	ssyncadd.s32 @!p2 $0xFFFFE000  }
0x39: {  	[hbm4b:s16+s14] =	stream.strided.scatter [tilespmem:s20], [sflag:$0x9], $0x2000, s22, s14, $0x38;
	[tilespmem:$0x10200] =	vst v63  }
0x3a: {  	s31 =	simm.s32 @!p1 $0x0;
	s6 =	simm.s32 @p1 $0xA200;
	_ =	swait.ge [sflag:s23], $0x2000  }
0x3b: {  	s15 =	simm.s32 @!p1 $0x80;
	s16 =	sadd.s32 @!p1 $0x0, s11;
	[sflag:s23] =	ssyncset.done $0x0  }
0x3c: {  	s20 =	simm.s32 @!p0 $0xA;
	s30 =	sadd.s32 @!p1 $0x50, s16;
	[sflag:s23] =	ssyncadd.s32 $0xFFFFE000  }
0x3d: {  	[tilespmem:s15], [sflag:$0x2] =	stream.linear.gather @!p1 [hbm4b:s30+s31], $0x80, $0x38;
	[tilespmem:$0x10200] =	vst v63  }
0x3e: {  	s7 =	simm.s32 @p1 $0x7;
	s18 =	sadd.s32 @p1 s4, s1;
	_ =	swait.ge @!p0 [sflag:s20], $0x2000  }
0x3f: {  	s9 =	simm.s32 @p1 $0x1000;
	s18 =	sadd.s32 @p1 s0, s18;
	[sflag:s20] =	ssyncset.done @!p0 $0x0  }
0x40: {  	s30 =	sadd.s32 @p1 $0x10, s18;
	[sflag:s20] =	ssyncadd.s32 @!p0 $0xFFFFE000;
	s20 =	simm.s32 @p1 $0x80  }
0x41: {  	[hbm4b:s30+s20] =	stream.strided.scatter @p1 [tilespmem:s6], [sflag:$0xA], $0x2000, s9, s20, $0x38;
	[tilespmem:$0x10200] =	vst v63  }
0x42: {  	_ =	swait.ge @p1 [sflag:s7], $0x2000  }
0x43: {  	[sflag:s7] =	ssyncset.done @p1 $0x0  }
0x44: {  	s6 =	simm.s32 @!p1 $0x2;
	[sflag:s7] =	ssyncadd.s32 @p1 $0xFFFFE000  }
0x45: {  	_ =	swait.ge @!p1 [sflag:s6], $0x80  }
0x46: {  	s7 =	sadd.s32 @!p1 s4, s1;
	[sflag:s6] =	ssyncset.done @!p1 $0x0  }
0x47: {  	s7 =	sadd.s32 @!p1 s0, s7;
	[sflag:s6] =	ssyncadd.s32 @!p1 $0xFFFFFF80;
	s6 =	simm.s32 @!p1 $0x2200  }
0x48: {  	[tilespmem:s6], [sflag:$0x6] =	stream.indirect.gather @!p1 [hbm4b:s3+s15], $0x40, s15, s15, $0xb8;
	[tilespmem:$0x10200] =	vst v63  }
0x49: {  	s10 =	simm.s32 @!p1 $0xA200;
	s30 =	simm.s32 @!p1 $0x1000;
	s6 =	sadd.s32 @!p1 $0x10, s7  }
0x4a: {  	[hbm4b:s6+s15] =	stream.strided.scatter @!p1 [tilespmem:s10], [sflag:$0xA], $0x2000, s30, s15, $0x38;
	[tilespmem:$0x10200] =	vst v63  }
0x4b: {  	s6 =	simm.s32 @!p1 $0x7  }
0x4c: {  	_ =	swait.ge @!p1 [sflag:s6], $0x2000  }
0x4d: {  	[sflag:s6] =	ssyncset.done @!p1 $0x0  }
0x4e: {  	s10 =	sadd.s32 @!p1 $0x60, s16;
	[sflag:s6] =	ssyncadd.s32 @!p1 $0xFFFFE000;
	s6 =	simm.s32 @!p1 $0x100  }
0x4f: {  	[tilespmem:s6], [sflag:$0x3] =	stream.linear.gather @!p1 [hbm4b:s10+s31], $0x80, $0x38;
	[tilespmem:$0x10200] =	vst v63  }
0x50: {  	s10 =	simm.s32 @!p0 $0xB  }
0x51: {  	_ =	swait.ge @!p0 [sflag:s10], $0x2000  }
0x52: {  	[sflag:s10] =	ssyncset.done @!p0 $0x0  }
0x53: {  	s18 =	sadd.s32 @p1 $0x20, s18;
	[sflag:s10] =	ssyncadd.s32 @!p0 $0xFFFFE000;
	s10 =	simm.s32 @p1 $0xC200  }
0x54: {  	[hbm4b:s18+s20] =	stream.strided.scatter @p1 [tilespmem:s10], [sflag:$0xB], $0x2000, s9, s20, $0x38;
	[tilespmem:$0x10200] =	vst v63  }
0x55: {  	s9 =	simm.s32 @p1 $0x8  }
0x56: {  	_ =	swait.ge @p1 [sflag:s9], $0x2000  }
0x57: {  	[sflag:s9] =	ssyncset.done @p1 $0x0  }
0x58: {  	[sflag:s9] =	ssyncadd.s32 @p1 $0xFFFFE000;
	s9 =	simm.s32 @!p1 $0x3  }
0x59: {  	_ =	swait.ge @!p1 [sflag:s9], $0x80  }
0x5a: {  	[sflag:s9] =	ssyncset.done @!p1 $0x0  }
0x5b: {  	[sflag:s9] =	ssyncadd.s32 @!p1 $0xFFFFFF80;
	s9 =	simm.s32 @!p1 $0x4200  }
0x5c: {  	[tilespmem:s9], [sflag:$0x7] =	stream.indirect.gather @!p1 [hbm4b:s3+s15], $0x40, s6, s15, $0xb8;
	[tilespmem:$0x10200] =	vst v63  }
0x5d: {  	s6 =	sadd.s32 @!p1 $0x20, s7;
	s7 =	simm.s32 @!p1 $0xC200  }
0x5e: {  	[hbm4b:s6+s15] =	stream.strided.scatter @!p1 [tilespmem:s7], [sflag:$0xB], $0x2000, s30, s15, $0x38;
	[tilespmem:$0x10200] =	vst v63  }
0x5f: {  	s6 =	simm.s32 @!p1 $0x8  }
0x60: {  	_ =	swait.ge @!p1 [sflag:s6], $0x2000  }
0x61: {  	[sflag:s6] =	ssyncset.done @!p1 $0x0  }
0x62: {  	s7 =	sadd.s32 @!p1 $0x70, s16;
	[sflag:s6] =	ssyncadd.s32 @!p1 $0xFFFFE000;
	s6 =	simm.s32 @!p1 $0x180  }
0x63: {  	[tilespmem:s6], [sflag:$0x4] =	stream.linear.gather @!p1 [hbm4b:s7+s31], $0x80, $0x38;
	[tilespmem:$0x10200] =	vst v63  }
0x64: {  	s7 =	simm.s32 @!p0 $0xC  }
0x65: {  	_ =	swait.ge @!p0 [sflag:s7], $0x2000  }
0x66: {  	[sflag:s7] =	ssyncset.done @!p0 $0x0  }
0x67: {  	[sflag:s7] =	ssyncadd.s32 @!p0 $0xFFFFE000;
	s7 =	simm.s32 @!p1 $0x4  }
0x68: {  	s1 =	sadd.s32 s4, s1;
	_ =	swait.ge @!p1 [sflag:s7], $0x80  }
0x69: {  	s0 =	sadd.s32 s0, s1;
	[sflag:s7] =	ssyncset.done @!p1 $0x0  }
0x6a: {  	s30 =	simm.s32 $0x40;
	[sflag:s7] =	ssyncadd.s32 @!p1 $0xFFFFFF80;
	s7 =	simm.s32 @!p1 $0x6200  }
0x6b: {  	[tilespmem:s7], [sflag:$0x8] =	stream.indirect.gather @!p1 [hbm4b:s3+s15], $0x40, s6, s15, $0xb8;
	[tilespmem:$0x10200] =	vst v63  }
0x6c: {  	s31 =	smov.u32 s12;
	s15 =	sadd.s32 $0x30, s0;
	s0 =	rddreg [dreg:$0x4]  }
.LBB2_2:
0x6d: {  	p3 =	sne.s32 s30, $0xC40;
	s1 =	smov.u32 s30  }
0x6e: {  	[hbm4b:s15+s14] =	stream.strided.scatter [tilespmem:s0], [sflag:$0xC], $0x2000, s22, s14, $0x38;
	[tilespmem:$0x10200] =	vst v63  }
0x6f: {  	_ =	swait.ge [sflag:s21], $0x2000;
	s0 =	sadd.s32 @p3 s1, s11;
	p0 =	seq.s32 @p3 s1, $0x0  }
0x70: {  	s6 =	simm.s32 @p3 $0x0;
	[sflag:s21] =	ssyncset.done $0x0;
	p2 =	por p0, !p3  }
0x71: {  	s0 =	sadd.s32 @p3 $0x40, s0;
	[sflag:s21] =	ssyncadd.s32 $0xFFFFE000;
	s7 =	simm.s32 @!p2 $0x9  }
0x72: {  	[tilespmem:s6], [sflag:$0x1] =	stream.linear.gather @p3 [hbm4b:s0+s6], $0x80, $0x38;
	[tilespmem:$0x10200] =	vst v63  }
0x73: {  	_ =	swait.ge @!p2 [sflag:s7], $0x2000  }
0x74: {  	[sflag:s7] =	ssyncset.done @!p2 $0x0  }
0x75: {  	s31 =	sadd.s32 $0x1000, s31;
	s0 =	simm.s32 @p3 $0x1;
	[sflag:s7] =	ssyncadd.s32 @!p2 $0xFFFFE000  }
0x76: {  	p4 =	por @!p3 $0x0, $0x0;
	s9 =	simm.s32 @p3 $0x200;
	_ =	swait.ge @p3 [sflag:s0], $0x80  }
0x77: {  	s10 =	sadd.s32 s1, s8;
	p0 =	por @!p3 p4, p4;
	[sflag:s0] =	ssyncset.done @p3 $0x0  }
0x78: {  	s7 =	simm.s32 @p3 $0x80;
	[sflag:s0] =	ssyncadd.s32 @p3 $0xFFFFFF80;
	s0 =	simm.s32 @!p3 $0x9  }
0x79: {  	[tilespmem:s9], [sflag:$0x5] =	stream.indirect.gather @p3 [hbm4b:s3+s7], $0x40, s6, s7, $0xb8;
	[tilespmem:$0x10200] =	vst v63  }
0x7a: {  	p2 =	seq.s32 s1, $0xC40;
	s7 =	sand.u32 $0x1C0, s10;
	_ =	swait.ge @!p3 [sflag:s0], $0x2000  }
0x7b: {  	s6 =	sand.u32 $0xFFF8000, s31;
	s19 =	sadd.s32 s4, s7;
	[sflag:s0] =	ssyncset.done @!p3 $0x0  }
0x7c: {  	s20 =	rddreg [dreg:$0x3];
	s24 =	sadd.s32 s6, s19;
	[sflag:s0] =	ssyncadd.s32 @!p3 $0xFFFFE000  }
0x7d: {  	[hbm4b:s24+s14] =	stream.strided.scatter [tilespmem:s20], [sflag:$0x9], $0x2000, s22, s14, $0x38;
	[tilespmem:$0x10200] =	vst v63  }
0x7e: {  	s15 =	sadd.s32 @!p2 s1, s11;
	s1 =	simm.s32 @!p2 $0x80;
	_ =	swait.ge [sflag:s23], $0x2000  }
0x7f: {  	s10 =	sadd.s32 @!p2 $0x50, s15;
	s9 =	sadd.s32 @p2 s4, s6;
	[sflag:s23] =	ssyncset.done $0x0  }
0x80: {  	s0 =	simm.s32 @!p2 $0x0;
	s20 =	simm.s32 @!p0 $0xA;
	[sflag:s23] =	ssyncadd.s32 $0xFFFFE000  }
0x81: {  	[tilespmem:s1], [sflag:$0x2] =	stream.linear.gather @!p2 [hbm4b:s10+s0], $0x80, $0x38;
	[tilespmem:$0x10200] =	vst v63  }
0x82: {  	s5 =	simm.s32 @p2 $0x7;
	s9 =	sadd.s32 @p2 s7, s9;
	_ =	swait.ge @!p0 [sflag:s20], $0x2000  }
0x83: {  	s19 =	simm.s32 @p2 $0xA200;
	s18 =	sadd.s32 @p2 $0x10, s9;
	[sflag:s20] =	ssyncset.done @!p0 $0x0  }
0x84: {  	s24 =	simm.s32 @p2 $0x1000;
	[sflag:s20] =	ssyncadd.s32 @!p0 $0xFFFFE000;
	s20 =	simm.s32 @p2 $0x80  }
0x85: {  	[hbm4b:s18+s20] =	stream.strided.scatter @p2 [tilespmem:s19], [sflag:$0xA], $0x2000, s24, s20, $0x38;
	[tilespmem:$0x10200] =	vst v63  }
0x86: {  	s16 =	sadd.s32 @!p2 s4, s6;
	_ =	swait.ge @p2 [sflag:s5], $0x2000  }
0x87: {  	s17 =	sadd.s32 @!p2 $0x60, s15;
	s16 =	sadd.s32 @!p2 s7, s16;
	[sflag:s5] =	ssyncset.done @p2 $0x0  }
0x88: {  	s6 =	sadd.s32 s4, s6;
	[sflag:s5] =	ssyncadd.s32 @p2 $0xFFFFE000;
	s5 =	simm.s32 @!p2 $0x2  }
0x89: {  	s6 =	sadd.s32 s7, s6;
	s7 =	simm.s32 @!p2 $0x7;
	_ =	swait.ge @!p2 [sflag:s5], $0x80  }
0x8a: {  	s10 =	sadd.s32 @!p2 $0x10, s16;
	s18 =	sadd.s32 @!p2 $0x20, s16;
	[sflag:s5] =	ssyncset.done @!p2 $0x0  }
0x8b: {  	s16 =	sadd.s32 @!p2 $0x70, s15;
	[sflag:s5] =	ssyncadd.s32 @!p2 $0xFFFFFF80;
	s5 =	simm.s32 @!p2 $0x2200  }
0x8c: {  	[tilespmem:s5], [sflag:$0x6] =	stream.indirect.gather @!p2 [hbm4b:s3+s1], $0x40, s1, s1, $0xb8;
	[tilespmem:$0x10200] =	vst v63  }
0x8d: {  	s15 =	sadd.s32 $0x30, s6;
	s6 =	simm.s32 @!p2 $0xA200;
	s5 =	simm.s32 @!p2 $0x1000  }
0x8e: {  	[hbm4b:s10+s1] =	stream.strided.scatter @!p2 [tilespmem:s6], [sflag:$0xA], $0x2000, s5, s1, $0x38;
	[tilespmem:$0x10200] =	vst v63  }
0x8f: {  	_ =	swait.ge @!p2 [sflag:s7], $0x2000  }
0x90: {  	[sflag:s7] =	ssyncset.done @!p2 $0x0  }
0x91: {  	s6 =	simm.s32 @!p2 $0x100;
	[sflag:s7] =	ssyncadd.s32 @!p2 $0xFFFFE000;
	s7 =	simm.s32 @!p0 $0xB  }
0x92: {  	[tilespmem:s6], [sflag:$0x3] =	stream.linear.gather @!p2 [hbm4b:s17+s0], $0x80, $0x38;
	[tilespmem:$0x10200] =	vst v63  }
0x93: {  	_ =	swait.ge @!p0 [sflag:s7], $0x2000  }
0x94: {  	s9 =	sadd.s32 @p2 $0x20, s9;
	[sflag:s7] =	ssyncset.done @!p0 $0x0  }
0x95: {  	s10 =	simm.s32 @p2 $0x8;
	[sflag:s7] =	ssyncadd.s32 @!p0 $0xFFFFE000;
	s7 =	simm.s32 @p2 $0xC200  }
0x96: {  	[hbm4b:s9+s20] =	stream.strided.scatter @p2 [tilespmem:s7], [sflag:$0xB], $0x2000, s24, s20, $0x38;
	[tilespmem:$0x10200] =	vst v63  }
0x97: {  	_ =	swait.ge @p2 [sflag:s10], $0x2000  }
0x98: {  	[sflag:s10] =	ssyncset.done @p2 $0x0  }
0x99: {  	s7 =	simm.s32 @!p2 $0x3;
	[sflag:s10] =	ssyncadd.s32 @p2 $0xFFFFE000  }
0x9a: {  	_ =	swait.ge @!p2 [sflag:s7], $0x80  }
0x9b: {  	[sflag:s7] =	ssyncset.done @!p2 $0x0  }
0x9c: {  	[sflag:s7] =	ssyncadd.s32 @!p2 $0xFFFFFF80;
	s7 =	simm.s32 @!p2 $0x4200  }
0x9d: {  	[tilespmem:s7], [sflag:$0x7] =	stream.indirect.gather @!p2 [hbm4b:s3+s1], $0x40, s6, s1, $0xb8;
	[tilespmem:$0x10200] =	vst v63  }
0x9e: {  	s6 =	simm.s32 @!p2 $0xC200;
	s7 =	simm.s32 @!p2 $0x8  }
0x9f: {  	[hbm4b:s18+s1] =	stream.strided.scatter @!p2 [tilespmem:s6], [sflag:$0xB], $0x2000, s5, s1, $0x38;
	[tilespmem:$0x10200] =	vst v63  }
0xa0: {  	_ =	swait.ge @!p2 [sflag:s7], $0x2000  }
0xa1: {  	[sflag:s7] =	ssyncset.done @!p2 $0x0  }
0xa2: {  	s5 =	simm.s32 @!p2 $0x180;
	s6 =	simm.s32 @!p0 $0xC;
	[sflag:s7] =	ssyncadd.s32 @!p2 $0xFFFFE000  }
0xa3: {  	[tilespmem:s5], [sflag:$0x4] =	stream.linear.gather @!p2 [hbm4b:s16+s0], $0x80, $0x38;
	[tilespmem:$0x10200] =	vst v63  }
0xa4: {  	s30 =	sadd.s32 $0x40, s30;
	_ =	swait.ge @!p0 [sflag:s6], $0x2000  }
0xa5: {  	p1 =	sne.s32 s30, $0xC80;
	[sflag:s6] =	ssyncset.done @!p0 $0x0  }
.Ltmp0:
0xa6: {  	s0 =	simm.s32 @!p2 $0x4;
	[sflag:s6] =	ssyncadd.s32 @!p0 $0xFFFFE000;
	(pc) =	sbr.rel @p1 .LBB2_2-.Ltmp0, $4  }
0xa7: {  	_ =	swait.ge @!p2 [sflag:s0], $0x80  }
0xa8: {  	[sflag:s0] =	ssyncset.done @!p2 $0x0  }
0xa9: {  	s6 =	simm.s32 @!p2 $0x6200;
	[sflag:s0] =	ssyncadd.s32 @!p2 $0xFFFFFF80;
	s0 =	rddreg [dreg:$0x4]  }
0xaa: {  	[tilespmem:s6], [sflag:$0x8] =	stream.indirect.gather @!p2 [hbm4b:s3+s1], $0x40, s5, s1, $0xb8;
	[tilespmem:$0x10200] =	vst v63  }
0xab: {  	[hbm4b:s15+s14] =	stream.strided.scatter [tilespmem:s0], [sflag:$0xC], $0x2000, s22, s14, $0x38;
	[tilespmem:$0x10200] =	vst v63  }
0xac: {  	s30 =	simm.s32 $0x9  }
0xad: {  	_ =	swait.ge [sflag:s30], $0x2000  }
0xae: {  	[sflag:s30] =	ssyncset.done $0x0  }
0xaf: {  	[sflag:s30] =	ssyncadd.s32 $0xFFFFE000  }
0xb0: {  	_ =	swait.ge [sflag:s25], $0x2000  }
0xb1: {  	[sflag:s25] =	ssyncset.done $0x0  }
0xb2: {  	[sflag:s25] =	ssyncadd.s32 $0xFFFFE000  }
0xb3: {  	_ =	swait.ge [sflag:s26], $0x2000  }
0xb4: {  	[sflag:s26] =	ssyncset.done $0x0  }
0xb5: {  	[sflag:s26] =	ssyncadd.s32 $0xFFFFE000  }
0xb6: {  	_ =	swait.ge [sflag:s28], $0x2000  }
0xb7: {  	s29 =	sadd.s32 $0x1, s29;
	s31 =	rddreg [dreg:$0x9]  }
0xb8: {  	p0 =	sne.s32 s29, s31  }
.Ltmp1:
0xb9: {  	_ = 	snop;
	(pc) =	sbr.rel @p0 .LBB2_1-.Ltmp1, $3  }
0xba: {  	_ =	sdelay $0x1  }
0xbb: {  	[sflag:s28] =	ssyncset.done $0x0  }
0xbc: {  	[sflag:s28] =	ssyncadd.s32 $0xFFFFE000  }
0xbd: {  	_ =	sfence.sel $0x180000  }
0xbe: {  	[bflag:$0x0] =	sbarrier.arrive $0xFFFF  }
0xbf: {  	_ =	strace $0x90000047  }
0xc0: {  	s0 =	stileid.u32;
	[bflag:$0x2] =	sbarrier.arrive $0xFFFF  }
0xc1: {  	p0 =	sne.s32 s0, $0x0;
	s0 =	rddreg [dreg:$0x2]  }
0xc2: {  	s0 =	sadd.s32 @!p0 $0x100000, s0  }
0xc3: {  	[sflag:s0] =	ssyncadd.tile.s32 @!p0 $0x1;
	_ =	shalt  }
.Lfunc_end2:
_tile_overlayer_lowered:
.L_overlay_start_2:
0xc4: {  	(tag) =	ssettag $0x2  }
0xc5: {  	s0 =	rddreg [dreg:$0x0];
	s2 =	stileid.u32  }
0xc6: {  	s1 =	rddreg [dreg:$0x1];
	p0 =	sne.s32 s2, $0x0  }
0xc7: {  	s3 =	rddreg [dreg:$0x2];
	[bflag:$0x3] =	sbarrier.arrive $0xFFFF;
	s2 =	simm.s32 @!p0 $0x1C0D  }
0xc8: {  	[timem:s3], [sflag:s2] =	dma.local @!p0 [hbm:s0], s1  }
0xc9: {  	s0 =	simm.s32 @!p0 $0xD  }
0xca: {  	_ =	swait.ge @!p0 [sflag:s0], s1  }
0xcb: {  	s1 =	ssub.s32 @!p0 $0x0, s1;
	[sflag:s0] =	ssyncset.done @!p0 $0x0  }
0xcc: {  	[sflag:s0] =	ssyncadd.s32 @!p0 s1  }
0xcd: {  	[bflag:$0x3] =	sbarrier.arrive $0xFFFF  }
0xce: {  	_ =	shalt  }

</sc_bundles>
